<compile_context>
chip_gen: v7x
topology: tpu7x:2x2x1
jax: 0.10.2.dev20260603
libtpu: 0.0.44.dev20260713+nightly
codegen_flags: <defaults>
</compile_context>

<pallas_src>
import functools

import jax
import jax.numpy as jnp
from jax import lax
from jax.experimental import pallas as pl
from jax.experimental.pallas import tpu as pltpu
from jax.experimental.pallas import tpu_sc as plsc

VOCAB_SIZE = 40000
EMBED_DIM = 8
SEQ_LEN = 428
SEQ_PAD = 512


@functools.cache
def _build_gather():
    info = plsc.get_sparse_core_info()
    nc, ns = info.num_cores, info.num_subcores
    nw = nc * ns
    bpw = SEQ_PAD // nw
    opw = bpw * EMBED_DIM
    mesh = plsc.VectorSubcoreMesh(core_axis_name="c", subcore_axis_name="s")

    @functools.partial(
        pl.kernel,
        mesh=mesh,
        out_type=jax.ShapeDtypeStruct((SEQ_PAD * EMBED_DIM,), jnp.float32),
        scratch_types=[
            pltpu.VMEM((bpw,), jnp.int32),
            pltpu.VMEM((bpw, 8, EMBED_DIM), jnp.float32),
            pltpu.VMEM((opw,), jnp.float32),
            pltpu.SemaphoreType.DMA,
        ],
        compiler_params=pltpu.CompilerParams(needs_layout_passes=False),
    )
    def gather_sc(ids_hbm, table_hbm, out_hbm, idx_v, slabs_v, rows_v, sem):
        wid = lax.axis_index("s") * nc + lax.axis_index("c")
        base = wid * bpw
        pltpu.sync_copy(ids_hbm.at[pl.ds(base, bpw)], idx_v)
        ids = idx_v[...]
        slab_base = lax.bitwise_and(ids, -8)
        lane = lax.iota(jnp.int32, 16)
        copies = []
        for i in range(bpw):
            sb = pl.multiple_of(jnp.sum(jnp.where(lane == i, slab_base, 0)), 8)
            copies.append(
                pltpu.async_copy(
                    table_hbm.at[pl.ds(sb, 8), :], slabs_v.at[i], sem
                )
            )
        for cp in copies:
            cp.wait()
        c = lax.bitwise_and(lane, 7)
        half = lax.shift_right_logical(lane, 3)
        for g in range(opw // 16):
            r = half + 2 * g
            srow = lax.bitwise_and(plsc.load_gather(idx_v, [r]), 7)
            rows_v[pl.ds(g * 16, 16)] = plsc.load_gather(slabs_v, [r, srow, c])
        pltpu.sync_copy(rows_v, out_hbm.at[pl.ds(base * EMBED_DIM, opw)])

    return gather_sc


def kernel(input_ids, table):
    ids = jnp.pad(input_ids.astype(jnp.int32), (0, SEQ_PAD - SEQ_LEN))
    out = _build_gather()(ids, table)
    return out[: SEQ_LEN * EMBED_DIM]

# --- scband reference (transcript-rebuilt; emitter-appended) ---
"""Pipeline reference for scband-data-preprocessing-model-34050500723223 (READ-ONLY COPY).

The authoritative reference and input builder live on the scoring server;
editing this copy changes nothing except your own understanding.
"""

import jax, jax.numpy as jnp
import numpy as np

VOCAB_SIZE = 40000
EMBED_DIM = 8
MAX_SEQ_LEN = 428

def setup_inputs(seed: int = 0) -> dict:
    key = jax.random.key(seed)
    k_ids, k_tab = jax.random.split(key)
    input_ids = jax.random.randint(k_ids, (MAX_SEQ_LEN,), 0, VOCAB_SIZE, dtype=jnp.int64 if jax.config.jax_enable_x64 else jnp.int32)
    table = jax.random.normal(k_tab, (VOCAB_SIZE, EMBED_DIM), dtype=jnp.float32)
    return {"input_ids": input_ids, "table": table}

def reference(input_ids, table):
    # Faithful translation of DataPreprocessingModel.forward after tokenization:
    # input_ids already truncated/padded to max_sequence_length (428).
    embedded = jnp.take(table, input_ids, axis=0)  # [428, 8] embedding lookup
    embedded = embedded.reshape(3424)              # hardcoded reshape in module (428*8)
    return embedded

if __name__ == "__main__":
    import jax
    _d = setup_inputs()
    print(jax.jit(kernel)(*tuple(_d.values())))

</pallas_src>

<mosaic_0001>
#map = affine_map<(d0, d1) -> (0)>
#map1 = affine_map<(d0, d1) -> (0, 0)>
module attributes {stable_mosaic.version = 14 : i64} {
  func.func @gather_sc(%arg0: i32, %arg1: i32, %arg2: memref<512xi32, #tpu.memory_space<hbm>>, %arg3: memref<40000x8xf32, #tpu.memory_space<hbm>>, %arg4: memref<4096xf32, #tpu.memory_space<hbm>>, %arg5: memref<16xi32, #tpu.memory_space<vmem>>, %arg6: memref<16x8x8xf32, #tpu.memory_space<vmem>>, %arg7: memref<128xf32, #tpu.memory_space<vmem>>, %arg8: memref<!tpu.dma_semaphore, #tpu.memory_space<semaphore_mem>>) attributes {dimension_semantics = [#tpu.dimension_semantics<core_parallel>, #tpu.dimension_semantics<subcore_parallel>], iteration_bounds = array<i64: 2, 16>, scalar_prefetch = 0 : i64, scratch_operands = 4 : i64, tpu.core_type = #tpu.core_type<sc_vector_subcore>, window_params = [{transform_indices = #map}, {transform_indices = #map1}, {transform_indices = #map}]} {
    %mul3A = arith.constant 2 : i32
    %mul3A_0 = arith.muli %arg1, %mul3A : i32
    %add3A = arith.addi %mul3A_0, %arg0 : i32
    %mul3A_1 = arith.constant 16 : i32
    %mul3A_2 = arith.muli %add3A, %mul3A_1 : i32
    "tpu.region"() ({
      %run_scoped3A = tpu.sem_alloc : memref<!tpu.dma_semaphore, #tpu.memory_space<semaphore_mem>>
      %dma_start3A_675 = tpu.memref_slice %arg2[%mul3A_2] : memref<512xi32, #tpu.memory_space<hbm>> -> memref<16xi32, #tpu.memory_space<hbm>>
      %dma_start3A_676 = tpu.memref_slice %arg2[%mul3A_2] : memref<512xi32, #tpu.memory_space<hbm>> -> memref<16xi32, #tpu.memory_space<hbm>>
      tpu.enqueue_dma source(%dma_start3A_676 : memref<16xi32, #tpu.memory_space<hbm>>) target(%arg5 : memref<16xi32, #tpu.memory_space<vmem>>) target_semaphore(%run_scoped3A : memref<!tpu.dma_semaphore, #tpu.memory_space<semaphore_mem>>)
      %dma_wait3A_677 = tpu.memref_slice %arg2[%mul3A_2] : memref<512xi32, #tpu.memory_space<hbm>> -> memref<16xi32, #tpu.memory_space<hbm>>
      %dma_wait3A_678 = tpu.memref_slice %arg2[%mul3A_2] : memref<512xi32, #tpu.memory_space<hbm>> -> memref<16xi32, #tpu.memory_space<hbm>>
      tpu.wait_dma2 semaphore(%run_scoped3A : memref<!tpu.dma_semaphore, #tpu.memory_space<semaphore_mem>>) src(%dma_wait3A_678 : memref<16xi32, #tpu.memory_space<hbm>>) dst(%arg5 : memref<16xi32, #tpu.memory_space<vmem>>)
      tpu.yield
    }) : () -> ()
    %get3A = arith.constant 0 : index
    %get3A_3 = tpu.vector_load %arg5[%get3A] {strides = array<i32>} : memref<16xi32, #tpu.memory_space<vmem>>, vector<16xi32>,
    %and3A = arith.constant -8 : i32
    %and3A_4 = vector.broadcast %and3A : i32 to vector<16xi32>
    %and3A_5 = arith.andi %get3A_3, %and3A_4 : vector<16xi32>
    %iota3A = tpu.iota {dimensions = array<i32: 0>} : vector<16xi32>
    %eq3A = arith.constant 0 : i32
    %eq3A_6 = vector.broadcast %eq3A : i32 to vector<16xi32>
    %eq3A_7 = arith.cmpi eq, %iota3A, %eq3A_6 : vector<16xi32>
    %jit3A = arith.constant 0 : i32
    %broadcast_in_dim3A = vector.broadcast %jit3A : i32 to vector<16xi32>
    %select_n3A = arith.select %eq3A_7, %and3A_5, %broadcast_in_dim3A : vector<16xi1>, vector<16xi32>
    %reduce_sum3A = arith.constant true
    %reduce_sum3A_8 = vector.broadcast %reduce_sum3A : i1 to vector<16xi1>
    %reduce_sum3A_9 = tpu.scan <sum>, %select_n3A masked %reduce_sum3A_8 : vector<16xi32>, vector<16xi1> -> vector<16xi32>
    %reduce_sum3A_10 = vector.extract %reduce_sum3A_9[15] : i32 from vector<16xi32>
    %multiple_of3A = tpu.assume_multiple %reduce_sum3A_10, 8 : i32
    %dma_start3A = arith.constant 0 : i32
    %dma_start3A_11 = arith.constant 0 : i32
    %dma_start3A_12 = arith.constant 0 : i32
    %dma_start3A_13 = tpu.memref_slice %arg6[%dma_start3A, %dma_start3A_11, %dma_start3A_12] : memref<16x8x8xf32, #tpu.memory_space<vmem>> -> memref<1x8x8xf32, #tpu.memory_space<vmem>>
    %dma_start3A_14 = tpu.memref_squeeze %dma_start3A_13 : memref<1x8x8xf32, #tpu.memory_space<vmem>> -> memref<8x8xf32, #tpu.memory_space<vmem>>
    %dma_start3A_15 = arith.constant 0 : i32
    %dma_start3A_16 = tpu.memref_slice %arg3[%multiple_of3A, %dma_start3A_15] : memref<40000x8xf32, #tpu.memory_space<hbm>> -> memref<8x8xf32, #tpu.memory_space<hbm>>
    %dma_start3A_17 = arith.constant 0 : i32
    %dma_start3A_18 = arith.constant 0 : i32
    %dma_start3A_19 = tpu.memref_slice %arg6[%dma_start3A, %dma_start3A_17, %dma_start3A_18] : memref<16x8x8xf32, #tpu.memory_space<vmem>> -> memref<1x8x8xf32, #tpu.memory_space<vmem>>
    %dma_start3A_20 = tpu.memref_squeeze %dma_start3A_19 : memref<1x8x8xf32, #tpu.memory_space<vmem>> -> memref<8x8xf32, #tpu.memory_space<vmem>>
    %dma_start3A_21 = arith.constant 0 : i32
    %dma_start3A_22 = tpu.memref_slice %arg3[%multiple_of3A, %dma_start3A_21] : memref<40000x8xf32, #tpu.memory_space<hbm>> -> memref<8x8xf32, #tpu.memory_space<hbm>>
    tpu.enqueue_dma source(%dma_start3A_22 : memref<8x8xf32, #tpu.memory_space<hbm>>) target(%dma_start3A_20 : memref<8x8xf32, #tpu.memory_space<vmem>>) target_semaphore(%arg8 : memref<!tpu.dma_semaphore, #tpu.memory_space<semaphore_mem>>)
    %eq3A_23 = arith.constant 1 : i32
    %eq3A_24 = vector.broadcast %eq3A_23 : i32 to vector<16xi32>
    %eq3A_25 = arith.cmpi eq, %iota3A, %eq3A_24 : vector<16xi32>
    %jit3A_26 = arith.constant 0 : i32
    %broadcast_in_dim3A_27 = vector.broadcast %jit3A_26 : i32 to vector<16xi32>
    %select_n3A_28 = arith.select %eq3A_25, %and3A_5, %broadcast_in_dim3A_27 : vector<16xi1>, vector<16xi32>
    %reduce_sum3A_29 = arith.constant true
    %reduce_sum3A_30 = vector.broadcast %reduce_sum3A_29 : i1 to vector<16xi1>
    %reduce_sum3A_31 = tpu.scan <sum>, %select_n3A_28 masked %reduce_sum3A_30 : vector<16xi32>, vector<16xi1> -> vector<16xi32>
    %reduce_sum3A_32 = vector.extract %reduce_sum3A_31[15] : i32 from vector<16xi32>
    %multiple_of3A_33 = tpu.assume_multiple %reduce_sum3A_32, 8 : i32
    %dma_start3A_34 = arith.constant 1 : i32
    %dma_start3A_35 = arith.constant 0 : i32
    %dma_start3A_36 = arith.constant 0 : i32
    %dma_start3A_37 = tpu.memref_slice %arg6[%dma_start3A_34, %dma_start3A_35, %dma_start3A_36] : memref<16x8x8xf32, #tpu.memory_space<vmem>> -> memref<1x8x8xf32, #tpu.memory_space<vmem>>
    %dma_start3A_38 = tpu.memref_squeeze %dma_start3A_37 : memref<1x8x8xf32, #tpu.memory_space<vmem>> -> memref<8x8xf32, #tpu.memory_space<vmem>>
    %dma_start3A_39 = arith.constant 0 : i32
    %dma_start3A_40 = tpu.memref_slice %arg3[%multiple_of3A_33, %dma_start3A_39] : memref<40000x8xf32, #tpu.memory_space<hbm>> -> memref<8x8xf32, #tpu.memory_space<hbm>>
    %dma_start3A_41 = arith.constant 0 : i32
    %dma_start3A_42 = arith.constant 0 : i32
    %dma_start3A_43 = tpu.memref_slice %arg6[%dma_start3A_34, %dma_start3A_41, %dma_start3A_42] : memref<16x8x8xf32, #tpu.memory_space<vmem>> -> memref<1x8x8xf32, #tpu.memory_space<vmem>>
    %dma_start3A_44 = tpu.memref_squeeze %dma_start3A_43 : memref<1x8x8xf32, #tpu.memory_space<vmem>> -> memref<8x8xf32, #tpu.memory_space<vmem>>
    %dma_start3A_45 = arith.constant 0 : i32
    %dma_start3A_46 = tpu.memref_slice %arg3[%multiple_of3A_33, %dma_start3A_45] : memref<40000x8xf32, #tpu.memory_space<hbm>> -> memref<8x8xf32, #tpu.memory_space<hbm>>
    tpu.enqueue_dma source(%dma_start3A_46 : memref<8x8xf32, #tpu.memory_space<hbm>>) target(%dma_start3A_44 : memref<8x8xf32, #tpu.memory_space<vmem>>) target_semaphore(%arg8 : memref<!tpu.dma_semaphore, #tpu.memory_space<semaphore_mem>>)
    %eq3A_47 = arith.constant 2 : i32
    %eq3A_48 = vector.broadcast %eq3A_47 : i32 to vector<16xi32>
    %eq3A_49 = arith.cmpi eq, %iota3A, %eq3A_48 : vector<16xi32>
    %jit3A_50 = arith.constant 0 : i32
    %broadcast_in_dim3A_51 = vector.broadcast %jit3A_50 : i32 to vector<16xi32>
    %select_n3A_52 = arith.select %eq3A_49, %and3A_5, %broadcast_in_dim3A_51 : vector<16xi1>, vector<16xi32>
    %reduce_sum3A_53 = arith.constant true
    %reduce_sum3A_54 = vector.broadcast %reduce_sum3A_53 : i1 to vector<16xi1>
    %reduce_sum3A_55 = tpu.scan <sum>, %select_n3A_52 masked %reduce_sum3A_54 : vector<16xi32>, vector<16xi1> -> vector<16xi32>
    %reduce_sum3A_56 = vector.extract %reduce_sum3A_55[15] : i32 from vector<16xi32>
    %multiple_of3A_57 = tpu.assume_multiple %reduce_sum3A_56, 8 : i32
    %dma_start3A_58 = arith.constant 2 : i32
    %dma_start3A_59 = arith.constant 0 : i32
    %dma_start3A_60 = arith.constant 0 : i32
    %dma_start3A_61 = tpu.memref_slice %arg6[%dma_start3A_58, %dma_start3A_59, %dma_start3A_60] : memref<16x8x8xf32, #tpu.memory_space<vmem>> -> memref<1x8x8xf32, #tpu.memory_space<vmem>>
    %dma_start3A_62 = tpu.memref_squeeze %dma_start3A_61 : memref<1x8x8xf32, #tpu.memory_space<vmem>> -> memref<8x8xf32, #tpu.memory_space<vmem>>
    %dma_start3A_63 = arith.constant 0 : i32
    %dma_start3A_64 = tpu.memref_slice %arg3[%multiple_of3A_57, %dma_start3A_63] : memref<40000x8xf32, #tpu.memory_space<hbm>> -> memref<8x8xf32, #tpu.memory_space<hbm>>
    %dma_start3A_65 = arith.constant 0 : i32
    %dma_start3A_66 = arith.constant 0 : i32
    %dma_start3A_67 = tpu.memref_slice %arg6[%dma_start3A_58, %dma_start3A_65, %dma_start3A_66] : memref<16x8x8xf32, #tpu.memory_space<vmem>> -> memref<1x8x8xf32, #tpu.memory_space<vmem>>
    %dma_start3A_68 = tpu.memref_squeeze %dma_start3A_67 : memref<1x8x8xf32, #tpu.memory_space<vmem>> -> memref<8x8xf32, #tpu.memory_space<vmem>>
    %dma_start3A_69 = arith.constant 0 : i32
    %dma_start3A_70 = tpu.memref_slice %arg3[%multiple_of3A_57, %dma_start3A_69] : memref<40000x8xf32, #tpu.memory_space<hbm>> -> memref<8x8xf32, #tpu.memory_space<hbm>>
    tpu.enqueue_dma source(%dma_start3A_70 : memref<8x8xf32, #tpu.memory_space<hbm>>) target(%dma_start3A_68 : memref<8x8xf32, #tpu.memory_space<vmem>>) target_semaphore(%arg8 : memref<!tpu.dma_semaphore, #tpu.memory_space<semaphore_mem>>)
    %eq3A_71 = arith.constant 3 : i32
    %eq3A_72 = vector.broadcast %eq3A_71 : i32 to vector<16xi32>
    %eq3A_73 = arith.cmpi eq, %iota3A, %eq3A_72 : vector<16xi32>
    %jit3A_74 = arith.constant 0 : i32
    %broadcast_in_dim3A_75 = vector.broadcast %jit3A_74 : i32 to vector<16xi32>
    %select_n3A_76 = arith.select %eq3A_73, %and3A_5, %broadcast_in_dim3A_75 : vector<16xi1>, vector<16xi32>
    %reduce_sum3A_77 = arith.constant true
    %reduce_sum3A_78 = vector.broadcast %reduce_sum3A_77 : i1 to vector<16xi1>
    %reduce_sum3A_79 = tpu.scan <sum>, %select_n3A_76 masked %reduce_sum3A_78 : vector<16xi32>, vector<16xi1> -> vector<16xi32>
    %reduce_sum3A_80 = vector.extract %reduce_sum3A_79[15] : i32 from vector<16xi32>
    %multiple_of3A_81 = tpu.assume_multiple %reduce_sum3A_80, 8 : i32
    %dma_start3A_82 = arith.constant 3 : i32
    %dma_start3A_83 = arith.constant 0 : i32
    %dma_start3A_84 = arith.constant 0 : i32
    %dma_start3A_85 = tpu.memref_slice %arg6[%dma_start3A_82, %dma_start3A_83, %dma_start3A_84] : memref<16x8x8xf32, #tpu.memory_space<vmem>> -> memref<1x8x8xf32, #tpu.memory_space<vmem>>
    %dma_start3A_86 = tpu.memref_squeeze %dma_start3A_85 : memref<1x8x8xf32, #tpu.memory_space<vmem>> -> memref<8x8xf32, #tpu.memory_space<vmem>>
    %dma_start3A_87 = arith.constant 0 : i32
    %dma_start3A_88 = tpu.memref_slice %arg3[%multiple_of3A_81, %dma_start3A_87] : memref<40000x8xf32, #tpu.memory_space<hbm>> -> memref<8x8xf32, #tpu.memory_space<hbm>>
    %dma_start3A_89 = arith.constant 0 : i32
    %dma_start3A_90 = arith.constant 0 : i32
    %dma_start3A_91 = tpu.memref_slice %arg6[%dma_start3A_82, %dma_start3A_89, %dma_start3A_90] : memref<16x8x8xf32, #tpu.memory_space<vmem>> -> memref<1x8x8xf32, #tpu.memory_space<vmem>>
    %dma_start3A_92 = tpu.memref_squeeze %dma_start3A_91 : memref<1x8x8xf32, #tpu.memory_space<vmem>> -> memref<8x8xf32, #tpu.memory_space<vmem>>
    %dma_start3A_93 = arith.constant 0 : i32
    %dma_start3A_94 = tpu.memref_slice %arg3[%multiple_of3A_81, %dma_start3A_93] : memref<40000x8xf32, #tpu.memory_space<hbm>> -> memref<8x8xf32, #tpu.memory_space<hbm>>
    tpu.enqueue_dma source(%dma_start3A_94 : memref<8x8xf32, #tpu.memory_space<hbm>>) target(%dma_start3A_92 : memref<8x8xf32, #tpu.memory_space<vmem>>) target_semaphore(%arg8 : memref<!tpu.dma_semaphore, #tpu.memory_space<semaphore_mem>>)
    %eq3A_95 = arith.constant 4 : i32
    %eq3A_96 = vector.broadcast %eq3A_95 : i32 to vector<16xi32>
    %eq3A_97 = arith.cmpi eq, %iota3A, %eq3A_96 : vector<16xi32>
    %jit3A_98 = arith.constant 0 : i32
    %broadcast_in_dim3A_99 = vector.broadcast %jit3A_98 : i32 to vector<16xi32>
    %select_n3A_100 = arith.select %eq3A_97, %and3A_5, %broadcast_in_dim3A_99 : vector<16xi1>, vector<16xi32>
    %reduce_sum3A_101 = arith.constant true
    %reduce_sum3A_102 = vector.broadcast %reduce_sum3A_101 : i1 to vector<16xi1>
    %reduce_sum3A_103 = tpu.scan <sum>, %select_n3A_100 masked %reduce_sum3A_102 : vector<16xi32>, vector<16xi1> -> vector<16xi32>
    %reduce_sum3A_104 = vector.extract %reduce_sum3A_103[15] : i32 from vector<16xi32>
    %multiple_of3A_105 = tpu.assume_multiple %reduce_sum3A_104, 8 : i32
    %dma_start3A_106 = arith.constant 4 : i32
    %dma_start3A_107 = arith.constant 0 : i32
    %dma_start3A_108 = arith.constant 0 : i32
    %dma_start3A_109 = tpu.memref_slice %arg6[%dma_start3A_106, %dma_start3A_107, %dma_start3A_108] : memref<16x8x8xf32, #tpu.memory_space<vmem>> -> memref<1x8x8xf32, #tpu.memory_space<vmem>>
    %dma_start3A_110 = tpu.memref_squeeze %dma_start3A_109 : memref<1x8x8xf32, #tpu.memory_space<vmem>> -> memref<8x8xf32, #tpu.memory_space<vmem>>
    %dma_start3A_111 = arith.constant 0 : i32
    %dma_start3A_112 = tpu.memref_slice %arg3[%multiple_of3A_105, %dma_start3A_111] : memref<40000x8xf32, #tpu.memory_space<hbm>> -> memref<8x8xf32, #tpu.memory_space<hbm>>
    %dma_start3A_113 = arith.constant 0 : i32
    %dma_start3A_114 = arith.constant 0 : i32
    %dma_start3A_115 = tpu.memref_slice %arg6[%dma_start3A_106, %dma_start3A_113, %dma_start3A_114] : memref<16x8x8xf32, #tpu.memory_space<vmem>> -> memref<1x8x8xf32, #tpu.memory_space<vmem>>
    %dma_start3A_116 = tpu.memref_squeeze %dma_start3A_115 : memref<1x8x8xf32, #tpu.memory_space<vmem>> -> memref<8x8xf32, #tpu.memory_space<vmem>>
    %dma_start3A_117 = arith.constant 0 : i32
    %dma_start3A_118 = tpu.memref_slice %arg3[%multiple_of3A_105, %dma_start3A_117] : memref<40000x8xf32, #tpu.memory_space<hbm>> -> memref<8x8xf32, #tpu.memory_space<hbm>>
    tpu.enqueue_dma source(%dma_start3A_118 : memref<8x8xf32, #tpu.memory_space<hbm>>) target(%dma_start3A_116 : memref<8x8xf32, #tpu.memory_space<vmem>>) target_semaphore(%arg8 : memref<!tpu.dma_semaphore, #tpu.memory_space<semaphore_mem>>)
    %eq3A_119 = arith.constant 5 : i32
    %eq3A_120 = vector.broadcast %eq3A_119 : i32 to vector<16xi32>
    %eq3A_121 = arith.cmpi eq, %iota3A, %eq3A_120 : vector<16xi32>
    %jit3A_122 = arith.constant 0 : i32
    %broadcast_in_dim3A_123 = vector.broadcast %jit3A_122 : i32 to vector<16xi32>
    %select_n3A_124 = arith.select %eq3A_121, %and3A_5, %broadcast_in_dim3A_123 : vector<16xi1>, vector<16xi32>
    %reduce_sum3A_125 = arith.constant true
    %reduce_sum3A_126 = vector.broadcast %reduce_sum3A_125 : i1 to vector<16xi1>
    %reduce_sum3A_127 = tpu.scan <sum>, %select_n3A_124 masked %reduce_sum3A_126 : vector<16xi32>, vector<16xi1> -> vector<16xi32>
    %reduce_sum3A_128 = vector.extract %reduce_sum3A_127[15] : i32 from vector<16xi32>
    %multiple_of3A_129 = tpu.assume_multiple %reduce_sum3A_128, 8 : i32
    %dma_start3A_130 = arith.constant 5 : i32
    %dma_start3A_131 = arith.constant 0 : i32
    %dma_start3A_132 = arith.constant 0 : i32
    %dma_start3A_133 = tpu.memref_slice %arg6[%dma_start3A_130, %dma_start3A_131, %dma_start3A_132] : memref<16x8x8xf32, #tpu.memory_space<vmem>> -> memref<1x8x8xf32, #tpu.memory_space<vmem>>
    %dma_start3A_134 = tpu.memref_squeeze %dma_start3A_133 : memref<1x8x8xf32, #tpu.memory_space<vmem>> -> memref<8x8xf32, #tpu.memory_space<vmem>>
    %dma_start3A_135 = arith.constant 0 : i32
    %dma_start3A_136 = tpu.memref_slice %arg3[%multiple_of3A_129, %dma_start3A_135] : memref<40000x8xf32, #tpu.memory_space<hbm>> -> memref<8x8xf32, #tpu.memory_space<hbm>>
    %dma_start3A_137 = arith.constant 0 : i32
    %dma_start3A_138 = arith.constant 0 : i32
    %dma_start3A_139 = tpu.memref_slice %arg6[%dma_start3A_130, %dma_start3A_137, %dma_start3A_138] : memref<16x8x8xf32, #tpu.memory_space<vmem>> -> memref<1x8x8xf32, #tpu.memory_space<vmem>>
    %dma_start3A_140 = tpu.memref_squeeze %dma_start3A_139 : memref<1x8x8xf32, #tpu.memory_space<vmem>> -> memref<8x8xf32, #tpu.memory_space<vmem>>
    %dma_start3A_141 = arith.constant 0 : i32
    %dma_start3A_142 = tpu.memref_slice %arg3[%multiple_of3A_129, %dma_start3A_141] : memref<40000x8xf32, #tpu.memory_space<hbm>> -> memref<8x8xf32, #tpu.memory_space<hbm>>
    tpu.enqueue_dma source(%dma_start3A_142 : memref<8x8xf32, #tpu.memory_space<hbm>>) target(%dma_start3A_140 : memref<8x8xf32, #tpu.memory_space<vmem>>) target_semaphore(%arg8 : memref<!tpu.dma_semaphore, #tpu.memory_space<semaphore_mem>>)
    %eq3A_143 = arith.constant 6 : i32
    %eq3A_144 = vector.broadcast %eq3A_143 : i32 to vector<16xi32>
    %eq3A_145 = arith.cmpi eq, %iota3A, %eq3A_144 : vector<16xi32>
    %jit3A_146 = arith.constant 0 : i32
    %broadcast_in_dim3A_147 = vector.broadcast %jit3A_146 : i32 to vector<16xi32>
    %select_n3A_148 = arith.select %eq3A_145, %and3A_5, %broadcast_in_dim3A_147 : vector<16xi1>, vector<16xi32>
    %reduce_sum3A_149 = arith.constant true
    %reduce_sum3A_150 = vector.broadcast %reduce_sum3A_149 : i1 to vector<16xi1>
    %reduce_sum3A_151 = tpu.scan <sum>, %select_n3A_148 masked %reduce_sum3A_150 : vector<16xi32>, vector<16xi1> -> vector<16xi32>
    %reduce_sum3A_152 = vector.extract %reduce_sum3A_151[15] : i32 from vector<16xi32>
    %multiple_of3A_153 = tpu.assume_multiple %reduce_sum3A_152, 8 : i32
    %dma_start3A_154 = arith.constant 6 : i32
    %dma_start3A_155 = arith.constant 0 : i32
    %dma_start3A_156 = arith.constant 0 : i32
    %dma_start3A_157 = tpu.memref_slice %arg6[%dma_start3A_154, %dma_start3A_155, %dma_start3A_156] : memref<16x8x8xf32, #tpu.memory_space<vmem>> -> memref<1x8x8xf32, #tpu.memory_space<vmem>>
    %dma_start3A_158 = tpu.memref_squeeze %dma_start3A_157 : memref<1x8x8xf32, #tpu.memory_space<vmem>> -> memref<8x8xf32, #tpu.memory_space<vmem>>
    %dma_start3A_159 = arith.constant 0 : i32
    %dma_start3A_160 = tpu.memref_slice %arg3[%multiple_of3A_153, %dma_start3A_159] : memref<40000x8xf32, #tpu.memory_space<hbm>> -> memref<8x8xf32, #tpu.memory_space<hbm>>
    %dma_start3A_161 = arith.constant 0 : i32
    %dma_start3A_162 = arith.constant 0 : i32
    %dma_start3A_163 = tpu.memref_slice %arg6[%dma_start3A_154, %dma_start3A_161, %dma_start3A_162] : memref<16x8x8xf32, #tpu.memory_space<vmem>> -> memref<1x8x8xf32, #tpu.memory_space<vmem>>
    %dma_start3A_164 = tpu.memref_squeeze %dma_start3A_163 : memref<1x8x8xf32, #tpu.memory_space<vmem>> -> memref<8x8xf32, #tpu.memory_space<vmem>>
    %dma_start3A_165 = arith.constant 0 : i32
    %dma_start3A_166 = tpu.memref_slice %arg3[%multiple_of3A_153, %dma_start3A_165] : memref<40000x8xf32, #tpu.memory_space<hbm>> -> memref<8x8xf32, #tpu.memory_space<hbm>>
    tpu.enqueue_dma source(%dma_start3A_166 : memref<8x8xf32, #tpu.memory_space<hbm>>) target(%dma_start3A_164 : memref<8x8xf32, #tpu.memory_space<vmem>>) target_semaphore(%arg8 : memref<!tpu.dma_semaphore, #tpu.memory_space<semaphore_mem>>)
    %eq3A_167 = arith.constant 7 : i32
    %eq3A_168 = vector.broadcast %eq3A_167 : i32 to vector<16xi32>
    %eq3A_169 = arith.cmpi eq, %iota3A, %eq3A_168 : vector<16xi32>
    %jit3A_170 = arith.constant 0 : i32
    %broadcast_in_dim3A_171 = vector.broadcast %jit3A_170 : i32 to vector<16xi32>
    %select_n3A_172 = arith.select %eq3A_169, %and3A_5, %broadcast_in_dim3A_171 : vector<16xi1>, vector<16xi32>
    %reduce_sum3A_173 = arith.constant true
    %reduce_sum3A_174 = vector.broadcast %reduce_sum3A_173 : i1 to vector<16xi1>
    %reduce_sum3A_175 = tpu.scan <sum>, %select_n3A_172 masked %reduce_sum3A_174 : vector<16xi32>, vector<16xi1> -> vector<16xi32>
    %reduce_sum3A_176 = vector.extract %reduce_sum3A_175[15] : i32 from vector<16xi32>
    %multiple_of3A_177 = tpu.assume_multiple %reduce_sum3A_176, 8 : i32
    %dma_start3A_178 = arith.constant 7 : i32
    %dma_start3A_179 = arith.constant 0 : i32
    %dma_start3A_180 = arith.constant 0 : i32
    %dma_start3A_181 = tpu.memref_slice %arg6[%dma_start3A_178, %dma_start3A_179, %dma_start3A_180] : memref<16x8x8xf32, #tpu.memory_space<vmem>> -> memref<1x8x8xf32, #tpu.memory_space<vmem>>
    %dma_start3A_182 = tpu.memref_squeeze %dma_start3A_181 : memref<1x8x8xf32, #tpu.memory_space<vmem>> -> memref<8x8xf32, #tpu.memory_space<vmem>>
    %dma_start3A_183 = arith.constant 0 : i32
    %dma_start3A_184 = tpu.memref_slice %arg3[%multiple_of3A_177, %dma_start3A_183] : memref<40000x8xf32, #tpu.memory_space<hbm>> -> memref<8x8xf32, #tpu.memory_space<hbm>>
    %dma_start3A_185 = arith.constant 0 : i32
    %dma_start3A_186 = arith.constant 0 : i32
    %dma_start3A_187 = tpu.memref_slice %arg6[%dma_start3A_178, %dma_start3A_185, %dma_start3A_186] : memref<16x8x8xf32, #tpu.memory_space<vmem>> -> memref<1x8x8xf32, #tpu.memory_space<vmem>>
    %dma_start3A_188 = tpu.memref_squeeze %dma_start3A_187 : memref<1x8x8xf32, #tpu.memory_space<vmem>> -> memref<8x8xf32, #tpu.memory_space<vmem>>
    %dma_start3A_189 = arith.constant 0 : i32
    %dma_start3A_190 = tpu.memref_slice %arg3[%multiple_of3A_177, %dma_start3A_189] : memref<40000x8xf32, #tpu.memory_space<hbm>> -> memref<8x8xf32, #tpu.memory_space<hbm>>
    tpu.enqueue_dma source(%dma_start3A_190 : memref<8x8xf32, #tpu.memory_space<hbm>>) target(%dma_start3A_188 : memref<8x8xf32, #tpu.memory_space<vmem>>) target_semaphore(%arg8 : memref<!tpu.dma_semaphore, #tpu.memory_space<semaphore_mem>>)
    %eq3A_191 = arith.constant 8 : i32
    %eq3A_192 = vector.broadcast %eq3A_191 : i32 to vector<16xi32>
    %eq3A_193 = arith.cmpi eq, %iota3A, %eq3A_192 : vector<16xi32>
    %jit3A_194 = arith.constant 0 : i32
    %broadcast_in_dim3A_195 = vector.broadcast %jit3A_194 : i32 to vector<16xi32>
    %select_n3A_196 = arith.select %eq3A_193, %and3A_5, %broadcast_in_dim3A_195 : vector<16xi1>, vector<16xi32>
    %reduce_sum3A_197 = arith.constant true
    %reduce_sum3A_198 = vector.broadcast %reduce_sum3A_197 : i1 to vector<16xi1>
    %reduce_sum3A_199 = tpu.scan <sum>, %select_n3A_196 masked %reduce_sum3A_198 : vector<16xi32>, vector<16xi1> -> vector<16xi32>
    %reduce_sum3A_200 = vector.extract %reduce_sum3A_199[15] : i32 from vector<16xi32>
    %multiple_of3A_201 = tpu.assume_multiple %reduce_sum3A_200, 8 : i32
    %dma_start3A_202 = arith.constant 8 : i32
    %dma_start3A_203 = arith.constant 0 : i32
    %dma_start3A_204 = arith.constant 0 : i32
    %dma_start3A_205 = tpu.memref_slice %arg6[%dma_start3A_202, %dma_start3A_203, %dma_start3A_204] : memref<16x8x8xf32, #tpu.memory_space<vmem>> -> memref<1x8x8xf32, #tpu.memory_space<vmem>>
    %dma_start3A_206 = tpu.memref_squeeze %dma_start3A_205 : memref<1x8x8xf32, #tpu.memory_space<vmem>> -> memref<8x8xf32, #tpu.memory_space<vmem>>
    %dma_start3A_207 = arith.constant 0 : i32
    %dma_start3A_208 = tpu.memref_slice %arg3[%multiple_of3A_201, %dma_start3A_207] : memref<40000x8xf32, #tpu.memory_space<hbm>> -> memref<8x8xf32, #tpu.memory_space<hbm>>
    %dma_start3A_209 = arith.constant 0 : i32
    %dma_start3A_210 = arith.constant 0 : i32
    %dma_start3A_211 = tpu.memref_slice %arg6[%dma_start3A_202, %dma_start3A_209, %dma_start3A_210] : memref<16x8x8xf32, #tpu.memory_space<vmem>> -> memref<1x8x8xf32, #tpu.memory_space<vmem>>
    %dma_start3A_212 = tpu.memref_squeeze %dma_start3A_211 : memref<1x8x8xf32, #tpu.memory_space<vmem>> -> memref<8x8xf32, #tpu.memory_space<vmem>>
    %dma_start3A_213 = arith.constant 0 : i32
    %dma_start3A_214 = tpu.memref_slice %arg3[%multiple_of3A_201, %dma_start3A_213] : memref<40000x8xf32, #tpu.memory_space<hbm>> -> memref<8x8xf32, #tpu.memory_space<hbm>>
    tpu.enqueue_dma source(%dma_start3A_214 : memref<8x8xf32, #tpu.memory_space<hbm>>) target(%dma_start3A_212 : memref<8x8xf32, #tpu.memory_space<vmem>>) target_semaphore(%arg8 : memref<!tpu.dma_semaphore, #tpu.memory_space<semaphore_mem>>)
    %eq3A_215 = arith.constant 9 : i32
    %eq3A_216 = vector.broadcast %eq3A_215 : i32 to vector<16xi32>
    %eq3A_217 = arith.cmpi eq, %iota3A, %eq3A_216 : vector<16xi32>
    %jit3A_218 = arith.constant 0 : i32
    %broadcast_in_dim3A_219 = vector.broadcast %jit3A_218 : i32 to vector<16xi32>
    %select_n3A_220 = arith.select %eq3A_217, %and3A_5, %broadcast_in_dim3A_219 : vector<16xi1>, vector<16xi32>
    %reduce_sum3A_221 = arith.constant true
    %reduce_sum3A_222 = vector.broadcast %reduce_sum3A_221 : i1 to vector<16xi1>
    %reduce_sum3A_223 = tpu.scan <sum>, %select_n3A_220 masked %reduce_sum3A_222 : vector<16xi32>, vector<16xi1> -> vector<16xi32>
    %reduce_sum3A_224 = vector.extract %reduce_sum3A_223[15] : i32 from vector<16xi32>
    %multiple_of3A_225 = tpu.assume_multiple %reduce_sum3A_224, 8 : i32
    %dma_start3A_226 = arith.constant 9 : i32
    %dma_start3A_227 = arith.constant 0 : i32
    %dma_start3A_228 = arith.constant 0 : i32
    %dma_start3A_229 = tpu.memref_slice %arg6[%dma_start3A_226, %dma_start3A_227, %dma_start3A_228] : memref<16x8x8xf32, #tpu.memory_space<vmem>> -> memref<1x8x8xf32, #tpu.memory_space<vmem>>
    %dma_start3A_230 = tpu.memref_squeeze %dma_start3A_229 : memref<1x8x8xf32, #tpu.memory_space<vmem>> -> memref<8x8xf32, #tpu.memory_space<vmem>>
    %dma_start3A_231 = arith.constant 0 : i32
    %dma_start3A_232 = tpu.memref_slice %arg3[%multiple_of3A_225, %dma_start3A_231] : memref<40000x8xf32, #tpu.memory_space<hbm>> -> memref<8x8xf32, #tpu.memory_space<hbm>>
    %dma_start3A_233 = arith.constant 0 : i32
    %dma_start3A_234 = arith.constant 0 : i32
    %dma_start3A_235 = tpu.memref_slice %arg6[%dma_start3A_226, %dma_start3A_233, %dma_start3A_234] : memref<16x8x8xf32, #tpu.memory_space<vmem>> -> memref<1x8x8xf32, #tpu.memory_space<vmem>>
    %dma_start3A_236 = tpu.memref_squeeze %dma_start3A_235 : memref<1x8x8xf32, #tpu.memory_space<vmem>> -> memref<8x8xf32, #tpu.memory_space<vmem>>
    %dma_start3A_237 = arith.constant 0 : i32
    %dma_start3A_238 = tpu.memref_slice %arg3[%multiple_of3A_225, %dma_start3A_237] : memref<40000x8xf32, #tpu.memory_space<hbm>> -> memref<8x8xf32, #tpu.memory_space<hbm>>
    tpu.enqueue_dma source(%dma_start3A_238 : memref<8x8xf32, #tpu.memory_space<hbm>>) target(%dma_start3A_236 : memref<8x8xf32, #tpu.memory_space<vmem>>) target_semaphore(%arg8 : memref<!tpu.dma_semaphore, #tpu.memory_space<semaphore_mem>>)
    %eq3A_239 = arith.constant 10 : i32
    %eq3A_240 = vector.broadcast %eq3A_239 : i32 to vector<16xi32>
    %eq3A_241 = arith.cmpi eq, %iota3A, %eq3A_240 : vector<16xi32>
    %jit3A_242 = arith.constant 0 : i32
    %broadcast_in_dim3A_243 = vector.broadcast %jit3A_242 : i32 to vector<16xi32>
    %select_n3A_244 = arith.select %eq3A_241, %and3A_5, %broadcast_in_dim3A_243 : vector<16xi1>, vector<16xi32>
    %reduce_sum3A_245 = arith.constant true
    %reduce_sum3A_246 = vector.broadcast %reduce_sum3A_245 : i1 to vector<16xi1>
    %reduce_sum3A_247 = tpu.scan <sum>, %select_n3A_244 masked %reduce_sum3A_246 : vector<16xi32>, vector<16xi1> -> vector<16xi32>
    %reduce_sum3A_248 = vector.extract %reduce_sum3A_247[15] : i32 from vector<16xi32>
    %multiple_of3A_249 = tpu.assume_multiple %reduce_sum3A_248, 8 : i32
    %dma_start3A_250 = arith.constant 10 : i32
    %dma_start3A_251 = arith.constant 0 : i32
    %dma_start3A_252 = arith.constant 0 : i32
    %dma_start3A_253 = tpu.memref_slice %arg6[%dma_start3A_250, %dma_start3A_251, %dma_start3A_252] : memref<16x8x8xf32, #tpu.memory_space<vmem>> -> memref<1x8x8xf32, #tpu.memory_space<vmem>>
    %dma_start3A_254 = tpu.memref_squeeze %dma_start3A_253 : memref<1x8x8xf32, #tpu.memory_space<vmem>> -> memref<8x8xf32, #tpu.memory_space<vmem>>
    %dma_start3A_255 = arith.constant 0 : i32
    %dma_start3A_256 = tpu.memref_slice %arg3[%multiple_of3A_249, %dma_start3A_255] : memref<40000x8xf32, #tpu.memory_space<hbm>> -> memref<8x8xf32, #tpu.memory_space<hbm>>
    %dma_start3A_257 = arith.constant 0 : i32
    %dma_start3A_258 = arith.constant 0 : i32
    %dma_start3A_259 = tpu.memref_slice %arg6[%dma_start3A_250, %dma_start3A_257, %dma_start3A_258] : memref<16x8x8xf32, #tpu.memory_space<vmem>> -> memref<1x8x8xf32, #tpu.memory_space<vmem>>
    %dma_start3A_260 = tpu.memref_squeeze %dma_start3A_259 : memref<1x8x8xf32, #tpu.memory_space<vmem>> -> memref<8x8xf32, #tpu.memory_space<vmem>>
    %dma_start3A_261 = arith.constant 0 : i32
    %dma_start3A_262 = tpu.memref_slice %arg3[%multiple_of3A_249, %dma_start3A_261] : memref<40000x8xf32, #tpu.memory_space<hbm>> -> memref<8x8xf32, #tpu.memory_space<hbm>>
    tpu.enqueue_dma source(%dma_start3A_262 : memref<8x8xf32, #tpu.memory_space<hbm>>) target(%dma_start3A_260 : memref<8x8xf32, #tpu.memory_space<vmem>>) target_semaphore(%arg8 : memref<!tpu.dma_semaphore, #tpu.memory_space<semaphore_mem>>)
    %eq3A_263 = arith.constant 11 : i32
    %eq3A_264 = vector.broadcast %eq3A_263 : i32 to vector<16xi32>
    %eq3A_265 = arith.cmpi eq, %iota3A, %eq3A_264 : vector<16xi32>
    %jit3A_266 = arith.constant 0 : i32
    %broadcast_in_dim3A_267 = vector.broadcast %jit3A_266 : i32 to vector<16xi32>
    %select_n3A_268 = arith.select %eq3A_265, %and3A_5, %broadcast_in_dim3A_267 : vector<16xi1>, vector<16xi32>
    %reduce_sum3A_269 = arith.constant true
    %reduce_sum3A_270 = vector.broadcast %reduce_sum3A_269 : i1 to vector<16xi1>
    %reduce_sum3A_271 = tpu.scan <sum>, %select_n3A_268 masked %reduce_sum3A_270 : vector<16xi32>, vector<16xi1> -> vector<16xi32>
    %reduce_sum3A_272 = vector.extract %reduce_sum3A_271[15] : i32 from vector<16xi32>
    %multiple_of3A_273 = tpu.assume_multiple %reduce_sum3A_272, 8 : i32
    %dma_start3A_274 = arith.constant 11 : i32
    %dma_start3A_275 = arith.constant 0 : i32
    %dma_start3A_276 = arith.constant 0 : i32
    %dma_start3A_277 = tpu.memref_slice %arg6[%dma_start3A_274, %dma_start3A_275, %dma_start3A_276] : memref<16x8x8xf32, #tpu.memory_space<vmem>> -> memref<1x8x8xf32, #tpu.memory_space<vmem>>
    %dma_start3A_278 = tpu.memref_squeeze %dma_start3A_277 : memref<1x8x8xf32, #tpu.memory_space<vmem>> -> memref<8x8xf32, #tpu.memory_space<vmem>>
    %dma_start3A_279 = arith.constant 0 : i32
    %dma_start3A_280 = tpu.memref_slice %arg3[%multiple_of3A_273, %dma_start3A_279] : memref<40000x8xf32, #tpu.memory_space<hbm>> -> memref<8x8xf32, #tpu.memory_space<hbm>>
    %dma_start3A_281 = arith.constant 0 : i32
    %dma_start3A_282 = arith.constant 0 : i32
    %dma_start3A_283 = tpu.memref_slice %arg6[%dma_start3A_274, %dma_start3A_281, %dma_start3A_282] : memref<16x8x8xf32, #tpu.memory_space<vmem>> -> memref<1x8x8xf32, #tpu.memory_space<vmem>>
    %dma_start3A_284 = tpu.memref_squeeze %dma_start3A_283 : memref<1x8x8xf32, #tpu.memory_space<vmem>> -> memref<8x8xf32, #tpu.memory_space<vmem>>
    %dma_start3A_285 = arith.constant 0 : i32
    %dma_start3A_286 = tpu.memref_slice %arg3[%multiple_of3A_273, %dma_start3A_285] : memref<40000x8xf32, #tpu.memory_space<hbm>> -> memref<8x8xf32, #tpu.memory_space<hbm>>
    tpu.enqueue_dma source(%dma_start3A_286 : memref<8x8xf32, #tpu.memory_space<hbm>>) target(%dma_start3A_284 : memref<8x8xf32, #tpu.memory_space<vmem>>) target_semaphore(%arg8 : memref<!tpu.dma_semaphore, #tpu.memory_space<semaphore_mem>>)
    %eq3A_287 = arith.constant 12 : i32
    %eq3A_288 = vector.broadcast %eq3A_287 : i32 to vector<16xi32>
    %eq3A_289 = arith.cmpi eq, %iota3A, %eq3A_288 : vector<16xi32>
    %jit3A_290 = arith.constant 0 : i32
    %broadcast_in_dim3A_291 = vector.broadcast %jit3A_290 : i32 to vector<16xi32>
    %select_n3A_292 = arith.select %eq3A_289, %and3A_5, %broadcast_in_dim3A_291 : vector<16xi1>, vector<16xi32>
    %reduce_sum3A_293 = arith.constant true
    %reduce_sum3A_294 = vector.broadcast %reduce_sum3A_293 : i1 to vector<16xi1>
    %reduce_sum3A_295 = tpu.scan <sum>, %select_n3A_292 masked %reduce_sum3A_294 : vector<16xi32>, vector<16xi1> -> vector<16xi32>
    %reduce_sum3A_296 = vector.extract %reduce_sum3A_295[15] : i32 from vector<16xi32>
    %multiple_of3A_297 = tpu.assume_multiple %reduce_sum3A_296, 8 : i32
    %dma_start3A_298 = arith.constant 12 : i32
    %dma_start3A_299 = arith.constant 0 : i32
    %dma_start3A_300 = arith.constant 0 : i32
    %dma_start3A_301 = tpu.memref_slice %arg6[%dma_start3A_298, %dma_start3A_299, %dma_start3A_300] : memref<16x8x8xf32, #tpu.memory_space<vmem>> -> memref<1x8x8xf32, #tpu.memory_space<vmem>>
    %dma_start3A_302 = tpu.memref_squeeze %dma_start3A_301 : memref<1x8x8xf32, #tpu.memory_space<vmem>> -> memref<8x8xf32, #tpu.memory_space<vmem>>
    %dma_start3A_303 = arith.constant 0 : i32
    %dma_start3A_304 = tpu.memref_slice %arg3[%multiple_of3A_297, %dma_start3A_303] : memref<40000x8xf32, #tpu.memory_space<hbm>> -> memref<8x8xf32, #tpu.memory_space<hbm>>
    %dma_start3A_305 = arith.constant 0 : i32
    %dma_start3A_306 = arith.constant 0 : i32
    %dma_start3A_307 = tpu.memref_slice %arg6[%dma_start3A_298, %dma_start3A_305, %dma_start3A_306] : memref<16x8x8xf32, #tpu.memory_space<vmem>> -> memref<1x8x8xf32, #tpu.memory_space<vmem>>
    %dma_start3A_308 = tpu.memref_squeeze %dma_start3A_307 : memref<1x8x8xf32, #tpu.memory_space<vmem>> -> memref<8x8xf32, #tpu.memory_space<vmem>>
    %dma_start3A_309 = arith.constant 0 : i32
    %dma_start3A_310 = tpu.memref_slice %arg3[%multiple_of3A_297, %dma_start3A_309] : memref<40000x8xf32, #tpu.memory_space<hbm>> -> memref<8x8xf32, #tpu.memory_space<hbm>>
    tpu.enqueue_dma source(%dma_start3A_310 : memref<8x8xf32, #tpu.memory_space<hbm>>) target(%dma_start3A_308 : memref<8x8xf32, #tpu.memory_space<vmem>>) target_semaphore(%arg8 : memref<!tpu.dma_semaphore, #tpu.memory_space<semaphore_mem>>)
    %eq3A_311 = arith.constant 13 : i32
    %eq3A_312 = vector.broadcast %eq3A_311 : i32 to vector<16xi32>
    %eq3A_313 = arith.cmpi eq, %iota3A, %eq3A_312 : vector<16xi32>
    %jit3A_314 = arith.constant 0 : i32
    %broadcast_in_dim3A_315 = vector.broadcast %jit3A_314 : i32 to vector<16xi32>
    %select_n3A_316 = arith.select %eq3A_313, %and3A_5, %broadcast_in_dim3A_315 : vector<16xi1>, vector<16xi32>
    %reduce_sum3A_317 = arith.constant true
    %reduce_sum3A_318 = vector.broadcast %reduce_sum3A_317 : i1 to vector<16xi1>
    %reduce_sum3A_319 = tpu.scan <sum>, %select_n3A_316 masked %reduce_sum3A_318 : vector<16xi32>, vector<16xi1> -> vector<16xi32>
    %reduce_sum3A_320 = vector.extract %reduce_sum3A_319[15] : i32 from vector<16xi32>
    %multiple_of3A_321 = tpu.assume_multiple %reduce_sum3A_320, 8 : i32
    %dma_start3A_322 = arith.constant 13 : i32
    %dma_start3A_323 = arith.constant 0 : i32
    %dma_start3A_324 = arith.constant 0 : i32
    %dma_start3A_325 = tpu.memref_slice %arg6[%dma_start3A_322, %dma_start3A_323, %dma_start3A_324] : memref<16x8x8xf32, #tpu.memory_space<vmem>> -> memref<1x8x8xf32, #tpu.memory_space<vmem>>
    %dma_start3A_326 = tpu.memref_squeeze %dma_start3A_325 : memref<1x8x8xf32, #tpu.memory_space<vmem>> -> memref<8x8xf32, #tpu.memory_space<vmem>>
    %dma_start3A_327 = arith.constant 0 : i32
    %dma_start3A_328 = tpu.memref_slice %arg3[%multiple_of3A_321, %dma_start3A_327] : memref<40000x8xf32, #tpu.memory_space<hbm>> -> memref<8x8xf32, #tpu.memory_space<hbm>>
    %dma_start3A_329 = arith.constant 0 : i32
    %dma_start3A_330 = arith.constant 0 : i32
    %dma_start3A_331 = tpu.memref_slice %arg6[%dma_start3A_322, %dma_start3A_329, %dma_start3A_330] : memref<16x8x8xf32, #tpu.memory_space<vmem>> -> memref<1x8x8xf32, #tpu.memory_space<vmem>>
    %dma_start3A_332 = tpu.memref_squeeze %dma_start3A_331 : memref<1x8x8xf32, #tpu.memory_space<vmem>> -> memref<8x8xf32, #tpu.memory_space<vmem>>
    %dma_start3A_333 = arith.constant 0 : i32
    %dma_start3A_334 = tpu.memref_slice %arg3[%multiple_of3A_321, %dma_start3A_333] : memref<40000x8xf32, #tpu.memory_space<hbm>> -> memref<8x8xf32, #tpu.memory_space<hbm>>
    tpu.enqueue_dma source(%dma_start3A_334 : memref<8x8xf32, #tpu.memory_space<hbm>>) target(%dma_start3A_332 : memref<8x8xf32, #tpu.memory_space<vmem>>) target_semaphore(%arg8 : memref<!tpu.dma_semaphore, #tpu.memory_space<semaphore_mem>>)
    %eq3A_335 = arith.constant 14 : i32
    %eq3A_336 = vector.broadcast %eq3A_335 : i32 to vector<16xi32>
    %eq3A_337 = arith.cmpi eq, %iota3A, %eq3A_336 : vector<16xi32>
    %jit3A_338 = arith.constant 0 : i32
    %broadcast_in_dim3A_339 = vector.broadcast %jit3A_338 : i32 to vector<16xi32>
    %select_n3A_340 = arith.select %eq3A_337, %and3A_5, %broadcast_in_dim3A_339 : vector<16xi1>, vector<16xi32>
    %reduce_sum3A_341 = arith.constant true
    %reduce_sum3A_342 = vector.broadcast %reduce_sum3A_341 : i1 to vector<16xi1>
    %reduce_sum3A_343 = tpu.scan <sum>, %select_n3A_340 masked %reduce_sum3A_342 : vector<16xi32>, vector<16xi1> -> vector<16xi32>
    %reduce_sum3A_344 = vector.extract %reduce_sum3A_343[15] : i32 from vector<16xi32>
    %multiple_of3A_345 = tpu.assume_multiple %reduce_sum3A_344, 8 : i32
    %dma_start3A_346 = arith.constant 14 : i32
    %dma_start3A_347 = arith.constant 0 : i32
    %dma_start3A_348 = arith.constant 0 : i32
    %dma_start3A_349 = tpu.memref_slice %arg6[%dma_start3A_346, %dma_start3A_347, %dma_start3A_348] : memref<16x8x8xf32, #tpu.memory_space<vmem>> -> memref<1x8x8xf32, #tpu.memory_space<vmem>>
    %dma_start3A_350 = tpu.memref_squeeze %dma_start3A_349 : memref<1x8x8xf32, #tpu.memory_space<vmem>> -> memref<8x8xf32, #tpu.memory_space<vmem>>
    %dma_start3A_351 = arith.constant 0 : i32
    %dma_start3A_352 = tpu.memref_slice %arg3[%multiple_of3A_345, %dma_start3A_351] : memref<40000x8xf32, #tpu.memory_space<hbm>> -> memref<8x8xf32, #tpu.memory_space<hbm>>
    %dma_start3A_353 = arith.constant 0 : i32
    %dma_start3A_354 = arith.constant 0 : i32
    %dma_start3A_355 = tpu.memref_slice %arg6[%dma_start3A_346, %dma_start3A_353, %dma_start3A_354] : memref<16x8x8xf32, #tpu.memory_space<vmem>> -> memref<1x8x8xf32, #tpu.memory_space<vmem>>
    %dma_start3A_356 = tpu.memref_squeeze %dma_start3A_355 : memref<1x8x8xf32, #tpu.memory_space<vmem>> -> memref<8x8xf32, #tpu.memory_space<vmem>>
    %dma_start3A_357 = arith.constant 0 : i32
    %dma_start3A_358 = tpu.memref_slice %arg3[%multiple_of3A_345, %dma_start3A_357] : memref<40000x8xf32, #tpu.memory_space<hbm>> -> memref<8x8xf32, #tpu.memory_space<hbm>>
    tpu.enqueue_dma source(%dma_start3A_358 : memref<8x8xf32, #tpu.memory_space<hbm>>) target(%dma_start3A_356 : memref<8x8xf32, #tpu.memory_space<vmem>>) target_semaphore(%arg8 : memref<!tpu.dma_semaphore, #tpu.memory_space<semaphore_mem>>)
    %eq3A_359 = arith.constant 15 : i32
    %eq3A_360 = vector.broadcast %eq3A_359 : i32 to vector<16xi32>
    %eq3A_361 = arith.cmpi eq, %iota3A, %eq3A_360 : vector<16xi32>
    %jit3A_362 = arith.constant 0 : i32
    %broadcast_in_dim3A_363 = vector.broadcast %jit3A_362 : i32 to vector<16xi32>
    %select_n3A_364 = arith.select %eq3A_361, %and3A_5, %broadcast_in_dim3A_363 : vector<16xi1>, vector<16xi32>
    %reduce_sum3A_365 = arith.constant true
    %reduce_sum3A_366 = vector.broadcast %reduce_sum3A_365 : i1 to vector<16xi1>
    %reduce_sum3A_367 = tpu.scan <sum>, %select_n3A_364 masked %reduce_sum3A_366 : vector<16xi32>, vector<16xi1> -> vector<16xi32>
    %reduce_sum3A_368 = vector.extract %reduce_sum3A_367[15] : i32 from vector<16xi32>
    %multiple_of3A_369 = tpu.assume_multiple %reduce_sum3A_368, 8 : i32
    %dma_start3A_370 = arith.constant 15 : i32
    %dma_start3A_371 = arith.constant 0 : i32
    %dma_start3A_372 = arith.constant 0 : i32
    %dma_start3A_373 = tpu.memref_slice %arg6[%dma_start3A_370, %dma_start3A_371, %dma_start3A_372] : memref<16x8x8xf32, #tpu.memory_space<vmem>> -> memref<1x8x8xf32, #tpu.memory_space<vmem>>
    %dma_start3A_374 = tpu.memref_squeeze %dma_start3A_373 : memref<1x8x8xf32, #tpu.memory_space<vmem>> -> memref<8x8xf32, #tpu.memory_space<vmem>>
    %dma_start3A_375 = arith.constant 0 : i32
    %dma_start3A_376 = tpu.memref_slice %arg3[%multiple_of3A_369, %dma_start3A_375] : memref<40000x8xf32, #tpu.memory_space<hbm>> -> memref<8x8xf32, #tpu.memory_space<hbm>>
    %dma_start3A_377 = arith.constant 0 : i32
    %dma_start3A_378 = arith.constant 0 : i32
    %dma_start3A_379 = tpu.memref_slice %arg6[%dma_start3A_370, %dma_start3A_377, %dma_start3A_378] : memref<16x8x8xf32, #tpu.memory_space<vmem>> -> memref<1x8x8xf32, #tpu.memory_space<vmem>>
    %dma_start3A_380 = tpu.memref_squeeze %dma_start3A_379 : memref<1x8x8xf32, #tpu.memory_space<vmem>> -> memref<8x8xf32, #tpu.memory_space<vmem>>
    %dma_start3A_381 = arith.constant 0 : i32
    %dma_start3A_382 = tpu.memref_slice %arg3[%multiple_of3A_369, %dma_start3A_381] : memref<40000x8xf32, #tpu.memory_space<hbm>> -> memref<8x8xf32, #tpu.memory_space<hbm>>
    tpu.enqueue_dma source(%dma_start3A_382 : memref<8x8xf32, #tpu.memory_space<hbm>>) target(%dma_start3A_380 : memref<8x8xf32, #tpu.memory_space<vmem>>) target_semaphore(%arg8 : memref<!tpu.dma_semaphore, #tpu.memory_space<semaphore_mem>>)
    %dma_wait3A = arith.constant 0 : i32
    %dma_wait3A_383 = arith.constant 0 : i32
    %dma_wait3A_384 = arith.constant 0 : i32
    %dma_wait3A_385 = tpu.memref_slice %arg6[%dma_wait3A, %dma_wait3A_383, %dma_wait3A_384] : memref<16x8x8xf32, #tpu.memory_space<vmem>> -> memref<1x8x8xf32, #tpu.memory_space<vmem>>
    %dma_wait3A_386 = tpu.memref_squeeze %dma_wait3A_385 : memref<1x8x8xf32, #tpu.memory_space<vmem>> -> memref<8x8xf32, #tpu.memory_space<vmem>>
    %dma_wait3A_387 = arith.constant 0 : i32
    %dma_wait3A_388 = tpu.memref_slice %arg3[%multiple_of3A, %dma_wait3A_387] : memref<40000x8xf32, #tpu.memory_space<hbm>> -> memref<8x8xf32, #tpu.memory_space<hbm>>
    %dma_wait3A_389 = arith.constant 0 : i32
    %dma_wait3A_390 = arith.constant 0 : i32
    %dma_wait3A_391 = tpu.memref_slice %arg6[%dma_wait3A, %dma_wait3A_389, %dma_wait3A_390] : memref<16x8x8xf32, #tpu.memory_space<vmem>> -> memref<1x8x8xf32, #tpu.memory_space<vmem>>
    %dma_wait3A_392 = tpu.memref_squeeze %dma_wait3A_391 : memref<1x8x8xf32, #tpu.memory_space<vmem>> -> memref<8x8xf32, #tpu.memory_space<vmem>>
    %dma_wait3A_393 = arith.constant 0 : i32
    %dma_wait3A_394 = tpu.memref_slice %arg3[%multiple_of3A, %dma_wait3A_393] : memref<40000x8xf32, #tpu.memory_space<hbm>> -> memref<8x8xf32, #tpu.memory_space<hbm>>
    tpu.wait_dma2 semaphore(%arg8 : memref<!tpu.dma_semaphore, #tpu.memory_space<semaphore_mem>>) src(%dma_wait3A_394 : memref<8x8xf32, #tpu.memory_space<hbm>>) dst(%dma_wait3A_392 : memref<8x8xf32, #tpu.memory_space<vmem>>)
    %dma_wait3A_395 = arith.constant 1 : i32
    %dma_wait3A_396 = arith.constant 0 : i32
    %dma_wait3A_397 = arith.constant 0 : i32
    %dma_wait3A_398 = tpu.memref_slice %arg6[%dma_wait3A_395, %dma_wait3A_396, %dma_wait3A_397] : memref<16x8x8xf32, #tpu.memory_space<vmem>> -> memref<1x8x8xf32, #tpu.memory_space<vmem>>
    %dma_wait3A_399 = tpu.memref_squeeze %dma_wait3A_398 : memref<1x8x8xf32, #tpu.memory_space<vmem>> -> memref<8x8xf32, #tpu.memory_space<vmem>>
    %dma_wait3A_400 = arith.constant 0 : i32
    %dma_wait3A_401 = tpu.memref_slice %arg3[%multiple_of3A_33, %dma_wait3A_400] : memref<40000x8xf32, #tpu.memory_space<hbm>> -> memref<8x8xf32, #tpu.memory_space<hbm>>
    %dma_wait3A_402 = arith.constant 0 : i32
    %dma_wait3A_403 = arith.constant 0 : i32
    %dma_wait3A_404 = tpu.memref_slice %arg6[%dma_wait3A_395, %dma_wait3A_402, %dma_wait3A_403] : memref<16x8x8xf32, #tpu.memory_space<vmem>> -> memref<1x8x8xf32, #tpu.memory_space<vmem>>
    %dma_wait3A_405 = tpu.memref_squeeze %dma_wait3A_404 : memref<1x8x8xf32, #tpu.memory_space<vmem>> -> memref<8x8xf32, #tpu.memory_space<vmem>>
    %dma_wait3A_406 = arith.constant 0 : i32
    %dma_wait3A_407 = tpu.memref_slice %arg3[%multiple_of3A_33, %dma_wait3A_406] : memref<40000x8xf32, #tpu.memory_space<hbm>> -> memref<8x8xf32, #tpu.memory_space<hbm>>
    tpu.wait_dma2 semaphore(%arg8 : memref<!tpu.dma_semaphore, #tpu.memory_space<semaphore_mem>>) src(%dma_wait3A_407 : memref<8x8xf32, #tpu.memory_space<hbm>>) dst(%dma_wait3A_405 : memref<8x8xf32, #tpu.memory_space<vmem>>)
    %dma_wait3A_408 = arith.constant 2 : i32
    %dma_wait3A_409 = arith.constant 0 : i32
    %dma_wait3A_410 = arith.constant 0 : i32
    %dma_wait3A_411 = tpu.memref_slice %arg6[%dma_wait3A_408, %dma_wait3A_409, %dma_wait3A_410] : memref<16x8x8xf32, #tpu.memory_space<vmem>> -> memref<1x8x8xf32, #tpu.memory_space<vmem>>
    %dma_wait3A_412 = tpu.memref_squeeze %dma_wait3A_411 : memref<1x8x8xf32, #tpu.memory_space<vmem>> -> memref<8x8xf32, #tpu.memory_space<vmem>>
    %dma_wait3A_413 = arith.constant 0 : i32
    %dma_wait3A_414 = tpu.memref_slice %arg3[%multiple_of3A_57, %dma_wait3A_413] : memref<40000x8xf32, #tpu.memory_space<hbm>> -> memref<8x8xf32, #tpu.memory_space<hbm>>
    %dma_wait3A_415 = arith.constant 0 : i32
    %dma_wait3A_416 = arith.constant 0 : i32
    %dma_wait3A_417 = tpu.memref_slice %arg6[%dma_wait3A_408, %dma_wait3A_415, %dma_wait3A_416] : memref<16x8x8xf32, #tpu.memory_space<vmem>> -> memref<1x8x8xf32, #tpu.memory_space<vmem>>
    %dma_wait3A_418 = tpu.memref_squeeze %dma_wait3A_417 : memref<1x8x8xf32, #tpu.memory_space<vmem>> -> memref<8x8xf32, #tpu.memory_space<vmem>>
    %dma_wait3A_419 = arith.constant 0 : i32
    %dma_wait3A_420 = tpu.memref_slice %arg3[%multiple_of3A_57, %dma_wait3A_419] : memref<40000x8xf32, #tpu.memory_space<hbm>> -> memref<8x8xf32, #tpu.memory_space<hbm>>
    tpu.wait_dma2 semaphore(%arg8 : memref<!tpu.dma_semaphore, #tpu.memory_space<semaphore_mem>>) src(%dma_wait3A_420 : memref<8x8xf32, #tpu.memory_space<hbm>>) dst(%dma_wait3A_418 : memref<8x8xf32, #tpu.memory_space<vmem>>)
    %dma_wait3A_421 = arith.constant 3 : i32
    %dma_wait3A_422 = arith.constant 0 : i32
    %dma_wait3A_423 = arith.constant 0 : i32
    %dma_wait3A_424 = tpu.memref_slice %arg6[%dma_wait3A_421, %dma_wait3A_422, %dma_wait3A_423] : memref<16x8x8xf32, #tpu.memory_space<vmem>> -> memref<1x8x8xf32, #tpu.memory_space<vmem>>
    %dma_wait3A_425 = tpu.memref_squeeze %dma_wait3A_424 : memref<1x8x8xf32, #tpu.memory_space<vmem>> -> memref<8x8xf32, #tpu.memory_space<vmem>>
    %dma_wait3A_426 = arith.constant 0 : i32
    %dma_wait3A_427 = tpu.memref_slice %arg3[%multiple_of3A_81, %dma_wait3A_426] : memref<40000x8xf32, #tpu.memory_space<hbm>> -> memref<8x8xf32, #tpu.memory_space<hbm>>
    %dma_wait3A_428 = arith.constant 0 : i32
    %dma_wait3A_429 = arith.constant 0 : i32
    %dma_wait3A_430 = tpu.memref_slice %arg6[%dma_wait3A_421, %dma_wait3A_428, %dma_wait3A_429] : memref<16x8x8xf32, #tpu.memory_space<vmem>> -> memref<1x8x8xf32, #tpu.memory_space<vmem>>
    %dma_wait3A_431 = tpu.memref_squeeze %dma_wait3A_430 : memref<1x8x8xf32, #tpu.memory_space<vmem>> -> memref<8x8xf32, #tpu.memory_space<vmem>>
    %dma_wait3A_432 = arith.constant 0 : i32
    %dma_wait3A_433 = tpu.memref_slice %arg3[%multiple_of3A_81, %dma_wait3A_432] : memref<40000x8xf32, #tpu.memory_space<hbm>> -> memref<8x8xf32, #tpu.memory_space<hbm>>
    tpu.wait_dma2 semaphore(%arg8 : memref<!tpu.dma_semaphore, #tpu.memory_space<semaphore_mem>>) src(%dma_wait3A_433 : memref<8x8xf32, #tpu.memory_space<hbm>>) dst(%dma_wait3A_431 : memref<8x8xf32, #tpu.memory_space<vmem>>)
    %dma_wait3A_434 = arith.constant 4 : i32
    %dma_wait3A_435 = arith.constant 0 : i32
    %dma_wait3A_436 = arith.constant 0 : i32
    %dma_wait3A_437 = tpu.memref_slice %arg6[%dma_wait3A_434, %dma_wait3A_435, %dma_wait3A_436] : memref<16x8x8xf32, #tpu.memory_space<vmem>> -> memref<1x8x8xf32, #tpu.memory_space<vmem>>
    %dma_wait3A_438 = tpu.memref_squeeze %dma_wait3A_437 : memref<1x8x8xf32, #tpu.memory_space<vmem>> -> memref<8x8xf32, #tpu.memory_space<vmem>>
    %dma_wait3A_439 = arith.constant 0 : i32
    %dma_wait3A_440 = tpu.memref_slice %arg3[%multiple_of3A_105, %dma_wait3A_439] : memref<40000x8xf32, #tpu.memory_space<hbm>> -> memref<8x8xf32, #tpu.memory_space<hbm>>
    %dma_wait3A_441 = arith.constant 0 : i32
    %dma_wait3A_442 = arith.constant 0 : i32
    %dma_wait3A_443 = tpu.memref_slice %arg6[%dma_wait3A_434, %dma_wait3A_441, %dma_wait3A_442] : memref<16x8x8xf32, #tpu.memory_space<vmem>> -> memref<1x8x8xf32, #tpu.memory_space<vmem>>
    %dma_wait3A_444 = tpu.memref_squeeze %dma_wait3A_443 : memref<1x8x8xf32, #tpu.memory_space<vmem>> -> memref<8x8xf32, #tpu.memory_space<vmem>>
    %dma_wait3A_445 = arith.constant 0 : i32
    %dma_wait3A_446 = tpu.memref_slice %arg3[%multiple_of3A_105, %dma_wait3A_445] : memref<40000x8xf32, #tpu.memory_space<hbm>> -> memref<8x8xf32, #tpu.memory_space<hbm>>
    tpu.wait_dma2 semaphore(%arg8 : memref<!tpu.dma_semaphore, #tpu.memory_space<semaphore_mem>>) src(%dma_wait3A_446 : memref<8x8xf32, #tpu.memory_space<hbm>>) dst(%dma_wait3A_444 : memref<8x8xf32, #tpu.memory_space<vmem>>)
    %dma_wait3A_447 = arith.constant 5 : i32
    %dma_wait3A_448 = arith.constant 0 : i32
    %dma_wait3A_449 = arith.constant 0 : i32
    %dma_wait3A_450 = tpu.memref_slice %arg6[%dma_wait3A_447, %dma_wait3A_448, %dma_wait3A_449] : memref<16x8x8xf32, #tpu.memory_space<vmem>> -> memref<1x8x8xf32, #tpu.memory_space<vmem>>
    %dma_wait3A_451 = tpu.memref_squeeze %dma_wait3A_450 : memref<1x8x8xf32, #tpu.memory_space<vmem>> -> memref<8x8xf32, #tpu.memory_space<vmem>>
    %dma_wait3A_452 = arith.constant 0 : i32
    %dma_wait3A_453 = tpu.memref_slice %arg3[%multiple_of3A_129, %dma_wait3A_452] : memref<40000x8xf32, #tpu.memory_space<hbm>> -> memref<8x8xf32, #tpu.memory_space<hbm>>
    %dma_wait3A_454 = arith.constant 0 : i32
    %dma_wait3A_455 = arith.constant 0 : i32
    %dma_wait3A_456 = tpu.memref_slice %arg6[%dma_wait3A_447, %dma_wait3A_454, %dma_wait3A_455] : memref<16x8x8xf32, #tpu.memory_space<vmem>> -> memref<1x8x8xf32, #tpu.memory_space<vmem>>
    %dma_wait3A_457 = tpu.memref_squeeze %dma_wait3A_456 : memref<1x8x8xf32, #tpu.memory_space<vmem>> -> memref<8x8xf32, #tpu.memory_space<vmem>>
    %dma_wait3A_458 = arith.constant 0 : i32
    %dma_wait3A_459 = tpu.memref_slice %arg3[%multiple_of3A_129, %dma_wait3A_458] : memref<40000x8xf32, #tpu.memory_space<hbm>> -> memref<8x8xf32, #tpu.memory_space<hbm>>
    tpu.wait_dma2 semaphore(%arg8 : memref<!tpu.dma_semaphore, #tpu.memory_space<semaphore_mem>>) src(%dma_wait3A_459 : memref<8x8xf32, #tpu.memory_space<hbm>>) dst(%dma_wait3A_457 : memref<8x8xf32, #tpu.memory_space<vmem>>)
    %dma_wait3A_460 = arith.constant 6 : i32
    %dma_wait3A_461 = arith.constant 0 : i32
    %dma_wait3A_462 = arith.constant 0 : i32
    %dma_wait3A_463 = tpu.memref_slice %arg6[%dma_wait3A_460, %dma_wait3A_461, %dma_wait3A_462] : memref<16x8x8xf32, #tpu.memory_space<vmem>> -> memref<1x8x8xf32, #tpu.memory_space<vmem>>
    %dma_wait3A_464 = tpu.memref_squeeze %dma_wait3A_463 : memref<1x8x8xf32, #tpu.memory_space<vmem>> -> memref<8x8xf32, #tpu.memory_space<vmem>>
    %dma_wait3A_465 = arith.constant 0 : i32
    %dma_wait3A_466 = tpu.memref_slice %arg3[%multiple_of3A_153, %dma_wait3A_465] : memref<40000x8xf32, #tpu.memory_space<hbm>> -> memref<8x8xf32, #tpu.memory_space<hbm>>
    %dma_wait3A_467 = arith.constant 0 : i32
    %dma_wait3A_468 = arith.constant 0 : i32
    %dma_wait3A_469 = tpu.memref_slice %arg6[%dma_wait3A_460, %dma_wait3A_467, %dma_wait3A_468] : memref<16x8x8xf32, #tpu.memory_space<vmem>> -> memref<1x8x8xf32, #tpu.memory_space<vmem>>
    %dma_wait3A_470 = tpu.memref_squeeze %dma_wait3A_469 : memref<1x8x8xf32, #tpu.memory_space<vmem>> -> memref<8x8xf32, #tpu.memory_space<vmem>>
    %dma_wait3A_471 = arith.constant 0 : i32
    %dma_wait3A_472 = tpu.memref_slice %arg3[%multiple_of3A_153, %dma_wait3A_471] : memref<40000x8xf32, #tpu.memory_space<hbm>> -> memref<8x8xf32, #tpu.memory_space<hbm>>
    tpu.wait_dma2 semaphore(%arg8 : memref<!tpu.dma_semaphore, #tpu.memory_space<semaphore_mem>>) src(%dma_wait3A_472 : memref<8x8xf32, #tpu.memory_space<hbm>>) dst(%dma_wait3A_470 : memref<8x8xf32, #tpu.memory_space<vmem>>)
    %dma_wait3A_473 = arith.constant 7 : i32
    %dma_wait3A_474 = arith.constant 0 : i32
    %dma_wait3A_475 = arith.constant 0 : i32
    %dma_wait3A_476 = tpu.memref_slice %arg6[%dma_wait3A_473, %dma_wait3A_474, %dma_wait3A_475] : memref<16x8x8xf32, #tpu.memory_space<vmem>> -> memref<1x8x8xf32, #tpu.memory_space<vmem>>
    %dma_wait3A_477 = tpu.memref_squeeze %dma_wait3A_476 : memref<1x8x8xf32, #tpu.memory_space<vmem>> -> memref<8x8xf32, #tpu.memory_space<vmem>>
    %dma_wait3A_478 = arith.constant 0 : i32
    %dma_wait3A_479 = tpu.memref_slice %arg3[%multiple_of3A_177, %dma_wait3A_478] : memref<40000x8xf32, #tpu.memory_space<hbm>> -> memref<8x8xf32, #tpu.memory_space<hbm>>
    %dma_wait3A_480 = arith.constant 0 : i32
    %dma_wait3A_481 = arith.constant 0 : i32
    %dma_wait3A_482 = tpu.memref_slice %arg6[%dma_wait3A_473, %dma_wait3A_480, %dma_wait3A_481] : memref<16x8x8xf32, #tpu.memory_space<vmem>> -> memref<1x8x8xf32, #tpu.memory_space<vmem>>
    %dma_wait3A_483 = tpu.memref_squeeze %dma_wait3A_482 : memref<1x8x8xf32, #tpu.memory_space<vmem>> -> memref<8x8xf32, #tpu.memory_space<vmem>>
    %dma_wait3A_484 = arith.constant 0 : i32
    %dma_wait3A_485 = tpu.memref_slice %arg3[%multiple_of3A_177, %dma_wait3A_484] : memref<40000x8xf32, #tpu.memory_space<hbm>> -> memref<8x8xf32, #tpu.memory_space<hbm>>
    tpu.wait_dma2 semaphore(%arg8 : memref<!tpu.dma_semaphore, #tpu.memory_space<semaphore_mem>>) src(%dma_wait3A_485 : memref<8x8xf32, #tpu.memory_space<hbm>>) dst(%dma_wait3A_483 : memref<8x8xf32, #tpu.memory_space<vmem>>)
    %dma_wait3A_486 = arith.constant 8 : i32
    %dma_wait3A_487 = arith.constant 0 : i32
    %dma_wait3A_488 = arith.constant 0 : i32
    %dma_wait3A_489 = tpu.memref_slice %arg6[%dma_wait3A_486, %dma_wait3A_487, %dma_wait3A_488] : memref<16x8x8xf32, #tpu.memory_space<vmem>> -> memref<1x8x8xf32, #tpu.memory_space<vmem>>
    %dma_wait3A_490 = tpu.memref_squeeze %dma_wait3A_489 : memref<1x8x8xf32, #tpu.memory_space<vmem>> -> memref<8x8xf32, #tpu.memory_space<vmem>>
    %dma_wait3A_491 = arith.constant 0 : i32
    %dma_wait3A_492 = tpu.memref_slice %arg3[%multiple_of3A_201, %dma_wait3A_491] : memref<40000x8xf32, #tpu.memory_space<hbm>> -> memref<8x8xf32, #tpu.memory_space<hbm>>
    %dma_wait3A_493 = arith.constant 0 : i32
    %dma_wait3A_494 = arith.constant 0 : i32
    %dma_wait3A_495 = tpu.memref_slice %arg6[%dma_wait3A_486, %dma_wait3A_493, %dma_wait3A_494] : memref<16x8x8xf32, #tpu.memory_space<vmem>> -> memref<1x8x8xf32, #tpu.memory_space<vmem>>
    %dma_wait3A_496 = tpu.memref_squeeze %dma_wait3A_495 : memref<1x8x8xf32, #tpu.memory_space<vmem>> -> memref<8x8xf32, #tpu.memory_space<vmem>>
    %dma_wait3A_497 = arith.constant 0 : i32
    %dma_wait3A_498 = tpu.memref_slice %arg3[%multiple_of3A_201, %dma_wait3A_497] : memref<40000x8xf32, #tpu.memory_space<hbm>> -> memref<8x8xf32, #tpu.memory_space<hbm>>
    tpu.wait_dma2 semaphore(%arg8 : memref<!tpu.dma_semaphore, #tpu.memory_space<semaphore_mem>>) src(%dma_wait3A_498 : memref<8x8xf32, #tpu.memory_space<hbm>>) dst(%dma_wait3A_496 : memref<8x8xf32, #tpu.memory_space<vmem>>)
    %dma_wait3A_499 = arith.constant 9 : i32
    %dma_wait3A_500 = arith.constant 0 : i32
    %dma_wait3A_501 = arith.constant 0 : i32
    %dma_wait3A_502 = tpu.memref_slice %arg6[%dma_wait3A_499, %dma_wait3A_500, %dma_wait3A_501] : memref<16x8x8xf32, #tpu.memory_space<vmem>> -> memref<1x8x8xf32, #tpu.memory_space<vmem>>
    %dma_wait3A_503 = tpu.memref_squeeze %dma_wait3A_502 : memref<1x8x8xf32, #tpu.memory_space<vmem>> -> memref<8x8xf32, #tpu.memory_space<vmem>>
    %dma_wait3A_504 = arith.constant 0 : i32
    %dma_wait3A_505 = tpu.memref_slice %arg3[%multiple_of3A_225, %dma_wait3A_504] : memref<40000x8xf32, #tpu.memory_space<hbm>> -> memref<8x8xf32, #tpu.memory_space<hbm>>
    %dma_wait3A_506 = arith.constant 0 : i32
    %dma_wait3A_507 = arith.constant 0 : i32
    %dma_wait3A_508 = tpu.memref_slice %arg6[%dma_wait3A_499, %dma_wait3A_506, %dma_wait3A_507] : memref<16x8x8xf32, #tpu.memory_space<vmem>> -> memref<1x8x8xf32, #tpu.memory_space<vmem>>
    %dma_wait3A_509 = tpu.memref_squeeze %dma_wait3A_508 : memref<1x8x8xf32, #tpu.memory_space<vmem>> -> memref<8x8xf32, #tpu.memory_space<vmem>>
    %dma_wait3A_510 = arith.constant 0 : i32
    %dma_wait3A_511 = tpu.memref_slice %arg3[%multiple_of3A_225, %dma_wait3A_510] : memref<40000x8xf32, #tpu.memory_space<hbm>> -> memref<8x8xf32, #tpu.memory_space<hbm>>
    tpu.wait_dma2 semaphore(%arg8 : memref<!tpu.dma_semaphore, #tpu.memory_space<semaphore_mem>>) src(%dma_wait3A_511 : memref<8x8xf32, #tpu.memory_space<hbm>>) dst(%dma_wait3A_509 : memref<8x8xf32, #tpu.memory_space<vmem>>)
    %dma_wait3A_512 = arith.constant 10 : i32
    %dma_wait3A_513 = arith.constant 0 : i32
    %dma_wait3A_514 = arith.constant 0 : i32
    %dma_wait3A_515 = tpu.memref_slice %arg6[%dma_wait3A_512, %dma_wait3A_513, %dma_wait3A_514] : memref<16x8x8xf32, #tpu.memory_space<vmem>> -> memref<1x8x8xf32, #tpu.memory_space<vmem>>
    %dma_wait3A_516 = tpu.memref_squeeze %dma_wait3A_515 : memref<1x8x8xf32, #tpu.memory_space<vmem>> -> memref<8x8xf32, #tpu.memory_space<vmem>>
    %dma_wait3A_517 = arith.constant 0 : i32
    %dma_wait3A_518 = tpu.memref_slice %arg3[%multiple_of3A_249, %dma_wait3A_517] : memref<40000x8xf32, #tpu.memory_space<hbm>> -> memref<8x8xf32, #tpu.memory_space<hbm>>
    %dma_wait3A_519 = arith.constant 0 : i32
    %dma_wait3A_520 = arith.constant 0 : i32
    %dma_wait3A_521 = tpu.memref_slice %arg6[%dma_wait3A_512, %dma_wait3A_519, %dma_wait3A_520] : memref<16x8x8xf32, #tpu.memory_space<vmem>> -> memref<1x8x8xf32, #tpu.memory_space<vmem>>
    %dma_wait3A_522 = tpu.memref_squeeze %dma_wait3A_521 : memref<1x8x8xf32, #tpu.memory_space<vmem>> -> memref<8x8xf32, #tpu.memory_space<vmem>>
    %dma_wait3A_523 = arith.constant 0 : i32
    %dma_wait3A_524 = tpu.memref_slice %arg3[%multiple_of3A_249, %dma_wait3A_523] : memref<40000x8xf32, #tpu.memory_space<hbm>> -> memref<8x8xf32, #tpu.memory_space<hbm>>
    tpu.wait_dma2 semaphore(%arg8 : memref<!tpu.dma_semaphore, #tpu.memory_space<semaphore_mem>>) src(%dma_wait3A_524 : memref<8x8xf32, #tpu.memory_space<hbm>>) dst(%dma_wait3A_522 : memref<8x8xf32, #tpu.memory_space<vmem>>)
    %dma_wait3A_525 = arith.constant 11 : i32
    %dma_wait3A_526 = arith.constant 0 : i32
    %dma_wait3A_527 = arith.constant 0 : i32
    %dma_wait3A_528 = tpu.memref_slice %arg6[%dma_wait3A_525, %dma_wait3A_526, %dma_wait3A_527] : memref<16x8x8xf32, #tpu.memory_space<vmem>> -> memref<1x8x8xf32, #tpu.memory_space<vmem>>
    %dma_wait3A_529 = tpu.memref_squeeze %dma_wait3A_528 : memref<1x8x8xf32, #tpu.memory_space<vmem>> -> memref<8x8xf32, #tpu.memory_space<vmem>>
    %dma_wait3A_530 = arith.constant 0 : i32
    %dma_wait3A_531 = tpu.memref_slice %arg3[%multiple_of3A_273, %dma_wait3A_530] : memref<40000x8xf32, #tpu.memory_space<hbm>> -> memref<8x8xf32, #tpu.memory_space<hbm>>
    %dma_wait3A_532 = arith.constant 0 : i32
    %dma_wait3A_533 = arith.constant 0 : i32
    %dma_wait3A_534 = tpu.memref_slice %arg6[%dma_wait3A_525, %dma_wait3A_532, %dma_wait3A_533] : memref<16x8x8xf32, #tpu.memory_space<vmem>> -> memref<1x8x8xf32, #tpu.memory_space<vmem>>
    %dma_wait3A_535 = tpu.memref_squeeze %dma_wait3A_534 : memref<1x8x8xf32, #tpu.memory_space<vmem>> -> memref<8x8xf32, #tpu.memory_space<vmem>>
    %dma_wait3A_536 = arith.constant 0 : i32
    %dma_wait3A_537 = tpu.memref_slice %arg3[%multiple_of3A_273, %dma_wait3A_536] : memref<40000x8xf32, #tpu.memory_space<hbm>> -> memref<8x8xf32, #tpu.memory_space<hbm>>
    tpu.wait_dma2 semaphore(%arg8 : memref<!tpu.dma_semaphore, #tpu.memory_space<semaphore_mem>>) src(%dma_wait3A_537 : memref<8x8xf32, #tpu.memory_space<hbm>>) dst(%dma_wait3A_535 : memref<8x8xf32, #tpu.memory_space<vmem>>)
    %dma_wait3A_538 = arith.constant 12 : i32
    %dma_wait3A_539 = arith.constant 0 : i32
    %dma_wait3A_540 = arith.constant 0 : i32
    %dma_wait3A_541 = tpu.memref_slice %arg6[%dma_wait3A_538, %dma_wait3A_539, %dma_wait3A_540] : memref<16x8x8xf32, #tpu.memory_space<vmem>> -> memref<1x8x8xf32, #tpu.memory_space<vmem>>
    %dma_wait3A_542 = tpu.memref_squeeze %dma_wait3A_541 : memref<1x8x8xf32, #tpu.memory_space<vmem>> -> memref<8x8xf32, #tpu.memory_space<vmem>>
    %dma_wait3A_543 = arith.constant 0 : i32
    %dma_wait3A_544 = tpu.memref_slice %arg3[%multiple_of3A_297, %dma_wait3A_543] : memref<40000x8xf32, #tpu.memory_space<hbm>> -> memref<8x8xf32, #tpu.memory_space<hbm>>
    %dma_wait3A_545 = arith.constant 0 : i32
    %dma_wait3A_546 = arith.constant 0 : i32
    %dma_wait3A_547 = tpu.memref_slice %arg6[%dma_wait3A_538, %dma_wait3A_545, %dma_wait3A_546] : memref<16x8x8xf32, #tpu.memory_space<vmem>> -> memref<1x8x8xf32, #tpu.memory_space<vmem>>
    %dma_wait3A_548 = tpu.memref_squeeze %dma_wait3A_547 : memref<1x8x8xf32, #tpu.memory_space<vmem>> -> memref<8x8xf32, #tpu.memory_space<vmem>>
    %dma_wait3A_549 = arith.constant 0 : i32
    %dma_wait3A_550 = tpu.memref_slice %arg3[%multiple_of3A_297, %dma_wait3A_549] : memref<40000x8xf32, #tpu.memory_space<hbm>> -> memref<8x8xf32, #tpu.memory_space<hbm>>
    tpu.wait_dma2 semaphore(%arg8 : memref<!tpu.dma_semaphore, #tpu.memory_space<semaphore_mem>>) src(%dma_wait3A_550 : memref<8x8xf32, #tpu.memory_space<hbm>>) dst(%dma_wait3A_548 : memref<8x8xf32, #tpu.memory_space<vmem>>)
    %dma_wait3A_551 = arith.constant 13 : i32
    %dma_wait3A_552 = arith.constant 0 : i32
    %dma_wait3A_553 = arith.constant 0 : i32
    %dma_wait3A_554 = tpu.memref_slice %arg6[%dma_wait3A_551, %dma_wait3A_552, %dma_wait3A_553] : memref<16x8x8xf32, #tpu.memory_space<vmem>> -> memref<1x8x8xf32, #tpu.memory_space<vmem>>
    %dma_wait3A_555 = tpu.memref_squeeze %dma_wait3A_554 : memref<1x8x8xf32, #tpu.memory_space<vmem>> -> memref<8x8xf32, #tpu.memory_space<vmem>>
    %dma_wait3A_556 = arith.constant 0 : i32
    %dma_wait3A_557 = tpu.memref_slice %arg3[%multiple_of3A_321, %dma_wait3A_556] : memref<40000x8xf32, #tpu.memory_space<hbm>> -> memref<8x8xf32, #tpu.memory_space<hbm>>
    %dma_wait3A_558 = arith.constant 0 : i32
    %dma_wait3A_559 = arith.constant 0 : i32
    %dma_wait3A_560 = tpu.memref_slice %arg6[%dma_wait3A_551, %dma_wait3A_558, %dma_wait3A_559] : memref<16x8x8xf32, #tpu.memory_space<vmem>> -> memref<1x8x8xf32, #tpu.memory_space<vmem>>
    %dma_wait3A_561 = tpu.memref_squeeze %dma_wait3A_560 : memref<1x8x8xf32, #tpu.memory_space<vmem>> -> memref<8x8xf32, #tpu.memory_space<vmem>>
    %dma_wait3A_562 = arith.constant 0 : i32
    %dma_wait3A_563 = tpu.memref_slice %arg3[%multiple_of3A_321, %dma_wait3A_562] : memref<40000x8xf32, #tpu.memory_space<hbm>> -> memref<8x8xf32, #tpu.memory_space<hbm>>
    tpu.wait_dma2 semaphore(%arg8 : memref<!tpu.dma_semaphore, #tpu.memory_space<semaphore_mem>>) src(%dma_wait3A_563 : memref<8x8xf32, #tpu.memory_space<hbm>>) dst(%dma_wait3A_561 : memref<8x8xf32, #tpu.memory_space<vmem>>)
    %dma_wait3A_564 = arith.constant 14 : i32
    %dma_wait3A_565 = arith.constant 0 : i32
    %dma_wait3A_566 = arith.constant 0 : i32
    %dma_wait3A_567 = tpu.memref_slice %arg6[%dma_wait3A_564, %dma_wait3A_565, %dma_wait3A_566] : memref<16x8x8xf32, #tpu.memory_space<vmem>> -> memref<1x8x8xf32, #tpu.memory_space<vmem>>
    %dma_wait3A_568 = tpu.memref_squeeze %dma_wait3A_567 : memref<1x8x8xf32, #tpu.memory_space<vmem>> -> memref<8x8xf32, #tpu.memory_space<vmem>>
    %dma_wait3A_569 = arith.constant 0 : i32
    %dma_wait3A_570 = tpu.memref_slice %arg3[%multiple_of3A_345, %dma_wait3A_569] : memref<40000x8xf32, #tpu.memory_space<hbm>> -> memref<8x8xf32, #tpu.memory_space<hbm>>
    %dma_wait3A_571 = arith.constant 0 : i32
    %dma_wait3A_572 = arith.constant 0 : i32
    %dma_wait3A_573 = tpu.memref_slice %arg6[%dma_wait3A_564, %dma_wait3A_571, %dma_wait3A_572] : memref<16x8x8xf32, #tpu.memory_space<vmem>> -> memref<1x8x8xf32, #tpu.memory_space<vmem>>
    %dma_wait3A_574 = tpu.memref_squeeze %dma_wait3A_573 : memref<1x8x8xf32, #tpu.memory_space<vmem>> -> memref<8x8xf32, #tpu.memory_space<vmem>>
    %dma_wait3A_575 = arith.constant 0 : i32
    %dma_wait3A_576 = tpu.memref_slice %arg3[%multiple_of3A_345, %dma_wait3A_575] : memref<40000x8xf32, #tpu.memory_space<hbm>> -> memref<8x8xf32, #tpu.memory_space<hbm>>
    tpu.wait_dma2 semaphore(%arg8 : memref<!tpu.dma_semaphore, #tpu.memory_space<semaphore_mem>>) src(%dma_wait3A_576 : memref<8x8xf32, #tpu.memory_space<hbm>>) dst(%dma_wait3A_574 : memref<8x8xf32, #tpu.memory_space<vmem>>)
    %dma_wait3A_577 = arith.constant 15 : i32
    %dma_wait3A_578 = arith.constant 0 : i32
    %dma_wait3A_579 = arith.constant 0 : i32
    %dma_wait3A_580 = tpu.memref_slice %arg6[%dma_wait3A_577, %dma_wait3A_578, %dma_wait3A_579] : memref<16x8x8xf32, #tpu.memory_space<vmem>> -> memref<1x8x8xf32, #tpu.memory_space<vmem>>
    %dma_wait3A_581 = tpu.memref_squeeze %dma_wait3A_580 : memref<1x8x8xf32, #tpu.memory_space<vmem>> -> memref<8x8xf32, #tpu.memory_space<vmem>>
    %dma_wait3A_582 = arith.constant 0 : i32
    %dma_wait3A_583 = tpu.memref_slice %arg3[%multiple_of3A_369, %dma_wait3A_582] : memref<40000x8xf32, #tpu.memory_space<hbm>> -> memref<8x8xf32, #tpu.memory_space<hbm>>
    %dma_wait3A_584 = arith.constant 0 : i32
    %dma_wait3A_585 = arith.constant 0 : i32
    %dma_wait3A_586 = tpu.memref_slice %arg6[%dma_wait3A_577, %dma_wait3A_584, %dma_wait3A_585] : memref<16x8x8xf32, #tpu.memory_space<vmem>> -> memref<1x8x8xf32, #tpu.memory_space<vmem>>
    %dma_wait3A_587 = tpu.memref_squeeze %dma_wait3A_586 : memref<1x8x8xf32, #tpu.memory_space<vmem>> -> memref<8x8xf32, #tpu.memory_space<vmem>>
    %dma_wait3A_588 = arith.constant 0 : i32
    %dma_wait3A_589 = tpu.memref_slice %arg3[%multiple_of3A_369, %dma_wait3A_588] : memref<40000x8xf32, #tpu.memory_space<hbm>> -> memref<8x8xf32, #tpu.memory_space<hbm>>
    tpu.wait_dma2 semaphore(%arg8 : memref<!tpu.dma_semaphore, #tpu.memory_space<semaphore_mem>>) src(%dma_wait3A_589 : memref<8x8xf32, #tpu.memory_space<hbm>>) dst(%dma_wait3A_587 : memref<8x8xf32, #tpu.memory_space<vmem>>)
    %and3A_590 = arith.constant 7 : i32
    %and3A_591 = vector.broadcast %and3A_590 : i32 to vector<16xi32>
    %and3A_592 = arith.andi %iota3A, %and3A_591 : vector<16xi32>
    %shift_right_logical3A = arith.constant 3 : i32
    %shift_right_logical3A_593 = vector.broadcast %shift_right_logical3A : i32 to vector<16xi32>
    %shift_right_logical3A_594 = arith.shrui %iota3A, %shift_right_logical3A_593 : vector<16xi32>
    %add3A_595 = arith.constant 0 : i32
    %add3A_596 = vector.broadcast %add3A_595 : i32 to vector<16xi32>
    %add3A_597 = arith.addi %shift_right_logical3A_594, %add3A_596 : vector<16xi32>
    %gather3A = tpu.vector_load_idx %arg5[%add3A_597] : memref<16xi32, #tpu.memory_space<vmem>>[vector<16xi32>], vector<16xi32>,
    %and3A_598 = arith.constant 7 : i32
    %and3A_599 = vector.broadcast %and3A_598 : i32 to vector<16xi32>
    %and3A_600 = arith.andi %gather3A, %and3A_599 : vector<16xi32>
    %gather3A_601 = tpu.vector_load_idx %arg6[%add3A_597, %and3A_600, %and3A_592] : memref<16x8x8xf32, #tpu.memory_space<vmem>>[vector<16xi32>, vector<16xi32>, vector<16xi32>], vector<16xf32>,
    %swap3A = arith.constant 0 : index
    %swap3A_602 = tpu.vector_load %arg7[%swap3A] {strides = array<i32>} : memref<128xf32, #tpu.memory_space<vmem>>, vector<16xf32>,
    tpu.vector_store %arg7[%swap3A], %gather3A_601 {strides = array<i32>} : memref<128xf32, #tpu.memory_space<vmem>>, vector<16xf32>,
    %add3A_603 = arith.constant 2 : i32
    %add3A_604 = vector.broadcast %add3A_603 : i32 to vector<16xi32>
    %add3A_605 = arith.addi %shift_right_logical3A_594, %add3A_604 : vector<16xi32>
    %gather3A_606 = tpu.vector_load_idx %arg5[%add3A_605] : memref<16xi32, #tpu.memory_space<vmem>>[vector<16xi32>], vector<16xi32>,
    %and3A_607 = arith.constant 7 : i32
    %and3A_608 = vector.broadcast %and3A_607 : i32 to vector<16xi32>
    %and3A_609 = arith.andi %gather3A_606, %and3A_608 : vector<16xi32>
    %gather3A_610 = tpu.vector_load_idx %arg6[%add3A_605, %and3A_609, %and3A_592] : memref<16x8x8xf32, #tpu.memory_space<vmem>>[vector<16xi32>, vector<16xi32>, vector<16xi32>], vector<16xf32>,
    %swap3A_611 = arith.constant 16 : index
    %swap3A_612 = tpu.vector_load %arg7[%swap3A_611] {strides = array<i32>} : memref<128xf32, #tpu.memory_space<vmem>>, vector<16xf32>,
    tpu.vector_store %arg7[%swap3A_611], %gather3A_610 {strides = array<i32>} : memref<128xf32, #tpu.memory_space<vmem>>, vector<16xf32>,
    %add3A_613 = arith.constant 4 : i32
    %add3A_614 = vector.broadcast %add3A_613 : i32 to vector<16xi32>
    %add3A_615 = arith.addi %shift_right_logical3A_594, %add3A_614 : vector<16xi32>
    %gather3A_616 = tpu.vector_load_idx %arg5[%add3A_615] : memref<16xi32, #tpu.memory_space<vmem>>[vector<16xi32>], vector<16xi32>,
    %and3A_617 = arith.constant 7 : i32
    %and3A_618 = vector.broadcast %and3A_617 : i32 to vector<16xi32>
    %and3A_619 = arith.andi %gather3A_616, %and3A_618 : vector<16xi32>
    %gather3A_620 = tpu.vector_load_idx %arg6[%add3A_615, %and3A_619, %and3A_592] : memref<16x8x8xf32, #tpu.memory_space<vmem>>[vector<16xi32>, vector<16xi32>, vector<16xi32>], vector<16xf32>,
    %swap3A_621 = arith.constant 32 : index
    %swap3A_622 = tpu.vector_load %arg7[%swap3A_621] {strides = array<i32>} : memref<128xf32, #tpu.memory_space<vmem>>, vector<16xf32>,
    tpu.vector_store %arg7[%swap3A_621], %gather3A_620 {strides = array<i32>} : memref<128xf32, #tpu.memory_space<vmem>>, vector<16xf32>,
    %add3A_623 = arith.constant 6 : i32
    %add3A_624 = vector.broadcast %add3A_623 : i32 to vector<16xi32>
    %add3A_625 = arith.addi %shift_right_logical3A_594, %add3A_624 : vector<16xi32>
    %gather3A_626 = tpu.vector_load_idx %arg5[%add3A_625] : memref<16xi32, #tpu.memory_space<vmem>>[vector<16xi32>], vector<16xi32>,
    %and3A_627 = arith.constant 7 : i32
    %and3A_628 = vector.broadcast %and3A_627 : i32 to vector<16xi32>
    %and3A_629 = arith.andi %gather3A_626, %and3A_628 : vector<16xi32>
    %gather3A_630 = tpu.vector_load_idx %arg6[%add3A_625, %and3A_629, %and3A_592] : memref<16x8x8xf32, #tpu.memory_space<vmem>>[vector<16xi32>, vector<16xi32>, vector<16xi32>], vector<16xf32>,
    %swap3A_631 = arith.constant 48 : index
    %swap3A_632 = tpu.vector_load %arg7[%swap3A_631] {strides = array<i32>} : memref<128xf32, #tpu.memory_space<vmem>>, vector<16xf32>,
    tpu.vector_store %arg7[%swap3A_631], %gather3A_630 {strides = array<i32>} : memref<128xf32, #tpu.memory_space<vmem>>, vector<16xf32>,
    %add3A_633 = arith.constant 8 : i32
    %add3A_634 = vector.broadcast %add3A_633 : i32 to vector<16xi32>
    %add3A_635 = arith.addi %shift_right_logical3A_594, %add3A_634 : vector<16xi32>
    %gather3A_636 = tpu.vector_load_idx %arg5[%add3A_635] : memref<16xi32, #tpu.memory_space<vmem>>[vector<16xi32>], vector<16xi32>,
    %and3A_637 = arith.constant 7 : i32
    %and3A_638 = vector.broadcast %and3A_637 : i32 to vector<16xi32>
    %and3A_639 = arith.andi %gather3A_636, %and3A_638 : vector<16xi32>
    %gather3A_640 = tpu.vector_load_idx %arg6[%add3A_635, %and3A_639, %and3A_592] : memref<16x8x8xf32, #tpu.memory_space<vmem>>[vector<16xi32>, vector<16xi32>, vector<16xi32>], vector<16xf32>,
    %swap3A_641 = arith.constant 64 : index
    %swap3A_642 = tpu.vector_load %arg7[%swap3A_641] {strides = array<i32>} : memref<128xf32, #tpu.memory_space<vmem>>, vector<16xf32>,
    tpu.vector_store %arg7[%swap3A_641], %gather3A_640 {strides = array<i32>} : memref<128xf32, #tpu.memory_space<vmem>>, vector<16xf32>,
    %add3A_643 = arith.constant 10 : i32
    %add3A_644 = vector.broadcast %add3A_643 : i32 to vector<16xi32>
    %add3A_645 = arith.addi %shift_right_logical3A_594, %add3A_644 : vector<16xi32>
    %gather3A_646 = tpu.vector_load_idx %arg5[%add3A_645] : memref<16xi32, #tpu.memory_space<vmem>>[vector<16xi32>], vector<16xi32>,
    %and3A_647 = arith.constant 7 : i32
    %and3A_648 = vector.broadcast %and3A_647 : i32 to vector<16xi32>
    %and3A_649 = arith.andi %gather3A_646, %and3A_648 : vector<16xi32>
    %gather3A_650 = tpu.vector_load_idx %arg6[%add3A_645, %and3A_649, %and3A_592] : memref<16x8x8xf32, #tpu.memory_space<vmem>>[vector<16xi32>, vector<16xi32>, vector<16xi32>], vector<16xf32>,
    %swap3A_651 = arith.constant 80 : index
    %swap3A_652 = tpu.vector_load %arg7[%swap3A_651] {strides = array<i32>} : memref<128xf32, #tpu.memory_space<vmem>>, vector<16xf32>,
    tpu.vector_store %arg7[%swap3A_651], %gather3A_650 {strides = array<i32>} : memref<128xf32, #tpu.memory_space<vmem>>, vector<16xf32>,
    %add3A_653 = arith.constant 12 : i32
    %add3A_654 = vector.broadcast %add3A_653 : i32 to vector<16xi32>
    %add3A_655 = arith.addi %shift_right_logical3A_594, %add3A_654 : vector<16xi32>
    %gather3A_656 = tpu.vector_load_idx %arg5[%add3A_655] : memref<16xi32, #tpu.memory_space<vmem>>[vector<16xi32>], vector<16xi32>,
    %and3A_657 = arith.constant 7 : i32
    %and3A_658 = vector.broadcast %and3A_657 : i32 to vector<16xi32>
    %and3A_659 = arith.andi %gather3A_656, %and3A_658 : vector<16xi32>
    %gather3A_660 = tpu.vector_load_idx %arg6[%add3A_655, %and3A_659, %and3A_592] : memref<16x8x8xf32, #tpu.memory_space<vmem>>[vector<16xi32>, vector<16xi32>, vector<16xi32>], vector<16xf32>,
    %swap3A_661 = arith.constant 96 : index
    %swap3A_662 = tpu.vector_load %arg7[%swap3A_661] {strides = array<i32>} : memref<128xf32, #tpu.memory_space<vmem>>, vector<16xf32>,
    tpu.vector_store %arg7[%swap3A_661], %gather3A_660 {strides = array<i32>} : memref<128xf32, #tpu.memory_space<vmem>>, vector<16xf32>,
    %add3A_663 = arith.constant 14 : i32
    %add3A_664 = vector.broadcast %add3A_663 : i32 to vector<16xi32>
    %add3A_665 = arith.addi %shift_right_logical3A_594, %add3A_664 : vector<16xi32>
    %gather3A_666 = tpu.vector_load_idx %arg5[%add3A_665] : memref<16xi32, #tpu.memory_space<vmem>>[vector<16xi32>], vector<16xi32>,
    %and3A_667 = arith.constant 7 : i32
    %and3A_668 = vector.broadcast %and3A_667 : i32 to vector<16xi32>
    %and3A_669 = arith.andi %gather3A_666, %and3A_668 : vector<16xi32>
    %gather3A_670 = tpu.vector_load_idx %arg6[%add3A_665, %and3A_669, %and3A_592] : memref<16x8x8xf32, #tpu.memory_space<vmem>>[vector<16xi32>, vector<16xi32>, vector<16xi32>], vector<16xf32>,
    %swap3A_671 = arith.constant 112 : index
    %swap3A_672 = tpu.vector_load %arg7[%swap3A_671] {strides = array<i32>} : memref<128xf32, #tpu.memory_space<vmem>>, vector<16xf32>,
    tpu.vector_store %arg7[%swap3A_671], %gather3A_670 {strides = array<i32>} : memref<128xf32, #tpu.memory_space<vmem>>, vector<16xf32>,
    %mul3A_673 = arith.constant 8 : i32
    %mul3A_674 = arith.muli %mul3A_2, %mul3A_673 : i32
    "tpu.region"() ({
      %run_scoped3A = tpu.sem_alloc : memref<!tpu.dma_semaphore, #tpu.memory_space<semaphore_mem>>
      %dma_start3A_675 = tpu.memref_slice %arg4[%mul3A_674] : memref<4096xf32, #tpu.memory_space<hbm>> -> memref<128xf32, #tpu.memory_space<hbm>>
      %dma_start3A_676 = tpu.memref_slice %arg4[%mul3A_674] : memref<4096xf32, #tpu.memory_space<hbm>> -> memref<128xf32, #tpu.memory_space<hbm>>
      tpu.enqueue_dma source(%arg7 : memref<128xf32, #tpu.memory_space<vmem>>) target(%dma_start3A_676 : memref<128xf32, #tpu.memory_space<hbm>>) target_semaphore(%run_scoped3A : memref<!tpu.dma_semaphore, #tpu.memory_space<semaphore_mem>>)
      %dma_wait3A_677 = tpu.memref_slice %arg4[%mul3A_674] : memref<4096xf32, #tpu.memory_space<hbm>> -> memref<128xf32, #tpu.memory_space<hbm>>
      %dma_wait3A_678 = tpu.memref_slice %arg4[%mul3A_674] : memref<4096xf32, #tpu.memory_space<hbm>> -> memref<128xf32, #tpu.memory_space<hbm>>
      tpu.wait_dma2 semaphore(%run_scoped3A : memref<!tpu.dma_semaphore, #tpu.memory_space<semaphore_mem>>) src(%arg7 : memref<128xf32, #tpu.memory_space<vmem>>) dst(%dma_wait3A_678 : memref<128xf32, #tpu.memory_space<hbm>>)
      tpu.yield
    }) : () -> ()
    return
  }
}

</mosaic_0001>

<sc_bundles>
// kernel: kernel.3.cloned.1.call-start
scs
__scs_entry_jumppad:
0x0: {  	(pc) =	sbr.rel $0x88, $3  }
0x1: {  	(tag) =	ssettag $0x0;
	lr =	simm.s32 $0x1  }
0x2: {  	[smem:$0x3F9F] =	sst lr;
	_ =	strace $0xD0000000  }
0x3: {  	_ = 	snop  }
0x4: {  	_ = 	snop  }
0x5: {  	_ = 	snop  }
0x6: {  	_ = 	snop  }
0x7: {  	_ = 	snop  }
__scs_overlays_trampoline_lowered:
0x8: {  	[smem:$0x3FAE] =	sst s0  }
0x9: {  	[smem:$0x3FAF] =	sst s1  }
0xa: {  	[smem:$0x3FB0] =	sst s2  }
0xb: {  	[smem:$0x3FB1] =	sst s3  }
0xc: {  	[smem:$0x3FB2] =	sst s4  }
0xd: {  	[smem:$0x3FB3] =	sst s5  }
0xe: {  	[smem:$0x3FB4] =	sst s6  }
0xf: {  	[smem:$0x3FB5] =	sst s7  }
0x10: {  	[smem:$0x3FB6] =	sst s8  }
0x11: {  	[smem:$0x3FB7] =	sst s9;
	s0 =	simm.s32 @!p0 $0x0  }
0x12: {  	s1 =	sld [smem:$0x3F9D];
	s0 =	simm.s32 @p0 $0x1  }
0x13: {  	[smem:$0x3FB8] =	sst s0;
	s0 =	simm.s32 @!p1 $0x0  }
0x14: {  	s2 =	sld [smem:$0x3F9C];
	s0 =	simm.s32 @p1 $0x1  }
0x15: {  	[smem:$0x3FB9] =	sst s0;
	s0 =	simm.s32 @!p2 $0x0  }
0x16: {  	s3 =	sld [smem:$0x3FDB];
	s0 =	simm.s32 @p2 $0x1  }
0x17: {  	s4 =	simm.s32 $0x1BF5;
	[smem:$0x3FBB] =	sst s0  }
0x18: {  	s0 =	sld [smem:$0x3F9E];
	_ =	swait.ge [sflag:s4], $0x0  }
0x19: {  	s7 =	sld [smem:$0x3F9F]  }
0x1a: {  	s8 =	sadd.s32 $0xFFFFE003, lr  }
0x1b: {  	s9 =	sadd.s32 $0xFFFFFEF7, lr;
	s5 =	simm.s32 $0xFFFFFFFF;
	p2 =	slt.u32 s8, $0xFFFFF086  }
0x1c: {  	p1 =	slt.u32 s9, $0xF7A;
	s5 =	simm.s32 @!p2 $0x0  }
0x1d: {  	s5 =	simm.s32 @p1 $0x1;
	p0 =	seq.s32 s7, s2  }
0x1e: {  	s7 =	smul.u32 @!p0 $0xF7A, s2;
	p2 =	seq.s32 @!p0 s5, $0x0  }
0x1f: {  	s9 =	smul.u32 $0xF7A, s1;
	s8 =	simm.s32 @!p0 $0x1BF5;
	p2 =	por !p2, p0  }
0x20: {  	[sflag:s8] =	ssyncset.s32 @!p0 $0xFFFFF086;
	s6 =	sadd.s32 @!p0 s3, s7;
	s7 =	simm.s32 @!p0 $0x108  }
0x21: {  	s3 =	sadd.s32 s3, s9;
	s6 =	sadd.s32 @!p0 $0x88, s6;
	s7 =	simm.s32 @p2 $0x1082  }
0x22: {  	[simem:s7], [sflag:s8] =	dma.local @!p0 [hbm:s6], $0xF7A  }
0x23: {  	s9 =	sor.u32 $0xD0000000, s2;
	s6 =	simm.s32 $0x108;
	_ =	swait.ge @!p0 [sflag:s8], $0x0  }
0x24: {  	s3 =	sadd.s32 $0x88, s3;
	s6 =	simm.s32 @!p1 $0x1082;
	[sflag:s4] =	ssyncset.s32 $0xFFFFF086  }
0x25: {  	[simem:s6], [sflag:s4] =	dma.local [hbm:s3], $0xF7A  }
0x26: {  	[smem:$0x3F9F] =	sst s1;
	(tag) =	ssettag s2;
	_ =	strace s9  }
0x27: {  	s1 =	sld [smem:$0x3FAF]  }
0x28: {  	s2 =	sld [smem:$0x3FB0]  }
0x29: {  	s4 =	sld [smem:$0x3FB2]  }
0x2a: {  	p0 =	seq.s32 s5, $0x0;
	s5 =	sld [smem:$0x3FB3]  }
0x2b: {  	s6 =	sld [smem:$0x3FB4]  }
0x2c: {  	s7 =	sld [smem:$0x3FB5]  }
0x2d: {  	s3 =	simm.s32 $0x108;
	s8 =	sld [smem:$0x3FB6]  }
0x2e: {  	s3 =	simm.s32 @!p0 $0x1082;
	s9 =	sld [smem:$0x3FB7]  }
0x2f: {  	lr =	sadd.s32 s0, s3;
	s0 =	sld [smem:$0x3FAE]  }
0x30: {  	s3 =	sld [smem:$0x3FB1]  }
0x31: {  	[smem:$0x3FBA] =	sst s10  }
0x32: {  	s10 =	sld [smem:$0x3FB8];
	_ =	sdelay $0x3  }
0x33: {  	p0 =	seq.s32 s10, $0x1;
	s10 =	sld [smem:$0x3FBA];
	_ =	sdelay $0x3  }
0x34: {  	[smem:$0x3FBA] =	sst s10  }
0x35: {  	s10 =	sld [smem:$0x3FB9];
	_ =	sdelay $0x3  }
0x36: {  	p1 =	seq.s32 s10, $0x1;
	s10 =	sld [smem:$0x3FBA];
	_ =	sdelay $0x3  }
0x37: {  	[smem:$0x3FBA] =	sst s10  }
0x38: {  	s10 =	sld [smem:$0x3FBB]  }
0x39: {  	_ = 	snop;
	(pc) =	sbr.ind lr, $3  }
0x3a: {  	_ = 	snop  }
0x3b: {  	_ = 	snop  }
0x3c: {  	p2 =	seq.s32 s10, $0x1;
	s10 =	sld [smem:$0x3FBA]  }
0x3d: {  	_ =	shalt  }
0x3e: {  	_ =	shalt  }
0x3f: {  	_ =	shalt  }
0x40: {  	_ =	shalt  }
0x41: {  	_ =	shalt  }
0x42: {  	_ =	shalt  }
0x43: {  	_ =	shalt  }
0x44: {  	_ =	shalt  }
0x45: {  	_ =	shalt  }
0x46: {  	_ =	shalt  }
0x47: {  	_ =	shalt  }
0x48: {  	_ =	shalt  }
0x49: {  	_ =	shalt  }
0x4a: {  	_ =	shalt  }
0x4b: {  	_ =	shalt  }
0x4c: {  	_ =	shalt  }
0x4d: {  	_ =	shalt  }
0x4e: {  	_ =	shalt  }
0x4f: {  	_ =	shalt  }
0x50: {  	_ =	shalt  }
0x51: {  	_ =	shalt  }
0x52: {  	_ =	shalt  }
0x53: {  	_ =	shalt  }
0x54: {  	_ =	shalt  }
0x55: {  	_ =	shalt  }
0x56: {  	_ =	shalt  }
0x57: {  	_ =	shalt  }
0x58: {  	_ =	shalt  }
0x59: {  	_ =	shalt  }
0x5a: {  	_ =	shalt  }
0x5b: {  	_ =	shalt  }
0x5c: {  	_ =	shalt  }
0x5d: {  	_ =	shalt  }
0x5e: {  	_ =	shalt  }
0x5f: {  	_ =	shalt  }
0x60: {  	_ =	shalt  }
0x61: {  	_ =	shalt  }
0x62: {  	_ =	shalt  }
0x63: {  	_ =	shalt  }
0x64: {  	_ =	shalt  }
0x65: {  	_ =	shalt  }
0x66: {  	_ =	shalt  }
0x67: {  	_ =	shalt  }
0x68: {  	_ =	shalt  }
0x69: {  	_ =	shalt  }
0x6a: {  	_ =	shalt  }
0x6b: {  	_ =	shalt  }
0x6c: {  	_ =	shalt  }
0x6d: {  	_ =	shalt  }
0x6e: {  	_ =	shalt  }
0x6f: {  	_ =	shalt  }
0x70: {  	_ =	shalt  }
0x71: {  	_ =	shalt  }
0x72: {  	_ =	shalt  }
0x73: {  	_ =	shalt  }
0x74: {  	_ =	shalt  }
0x75: {  	_ =	shalt  }
0x76: {  	_ =	shalt  }
0x77: {  	_ =	shalt  }
0x78: {  	_ =	shalt  }
0x79: {  	_ =	shalt  }
0x7a: {  	_ =	shalt  }
0x7b: {  	_ =	shalt  }
0x7c: {  	_ =	shalt  }
0x7d: {  	_ =	shalt  }
0x7e: {  	_ =	shalt  }
0x7f: {  	_ =	shalt  }
0x80: {  	_ =	shalt  }
0x81: {  	_ =	shalt  }
0x82: {  	_ =	shalt  }
0x83: {  	_ =	shalt  }
0x84: {  	_ =	shalt  }
0x85: {  	_ =	shalt  }
0x86: {  	_ =	shalt  }
0x87: {  	_ =	shalt  }
.Lfunc_end0:
.L_simem_size_0:
called_computation_lowered:
.L_overlay_start_0:
0x88: {  	s2 =	sld [smem:$0x3FD9]  }
0x89: {  	s3 =	sld [smem:$0x3FFE];
	_ =	sdelay $0x1  }
0x8a: {  	s1 =	srdreg.scid  }
0x8b: {  	s0 =	sand.u32 $0x1, s1  }
0x8c: {  	s17 =	sshll.u32 s0, $0xA;
	s2 =	sadd.s32 s3, s2  }
0x8d: {  	s2 =	sadd.s32 s2, s17  }
0x8e: {  	[smem:$0x3FC6] =	sst s2  }
0x8f: {  	_ = 	snop  }
0x90: {  	s2 =	sld [smem:$0x3FD0];
	(tm) =	ssettm $0x1  }
0x91: {  	s18 =	sld [smem:$0x3FFB];
	_ =	sdelay $0x3  }
0x92: {  	_ =	strace s18  }
0x93: {  	s3 =	sld [smem:$0x3FFC];
	_ =	sdelay $0x3  }
0x94: {  	_ =	strace s3  }
0x95: {  	s3 =	sld [smem:$0x3FFD];
	_ =	sdelay $0x3  }
0x96: {  	_ =	strace s3  }
0x97: {  	_ =	strace $0x8FFFFFFF  }
0x98: {  	s19 =	sld [smem:$0x3FDB];
	_ =	sdelay $0x1  }
0x99: {  	s4 =	simm.s32 $_scs_section_size  }
0x9a: {  	s5 =	simm.s32 $_size__tile_overlayer_lowered;
	s6 =	simm.s32 $_tile_overlayer_lowered  }
0x9b: {  	s22 =	simm.s32 $0x1BFF;
	s21 =	sshll.u32 s6, $0x1;
	s3 =	sadd.s32 s4, s19  }
0x9c: {  	s7 =	simm.s32 $0x0;
	s20 =	sshll.u32 s5, $0x1;
	s5 =	sadd.s32 s21, s3  }
0x9d: {  	[timem:s7], [sflag:s22] =	dma.local [hbm:s5], s20  }
0x9e: {  	_ =	swait.ge [sflag:s22], s20  }
0x9f: {  	s4 =	ssub.s32 $0x0, s20;
	[sflag:s22] =	ssyncset.done $0x0  }
0xa0: {  	[sflag:s22] =	ssyncadd.s32 s4;
	_ =	sdelay $0x1  }
0xa1: {  	s23 =	simm.s32 $0x1B8B  }
0xa2: {  	_ =	swait.ge [sflag:s23], $0x1  }
0xa3: {  	[sflag:s23] =	ssyncset.done $0x0  }
0xa4: {  	s25 =	simm.s32 $0x1B8E;
	s24 =	sld [smem:$0x3FFE];
	[sflag:s23] =	ssyncadd.s32 $0xFFFFFFFF  }
0xa5: {  	s26 =	simm.s32 $execute0_lowered;
	[smem:$0x3FD2] =	sst s25  }
0xa6: {  	s5 =	sshll.u32 s26, $0x1;
	_ =	strace $0x80000046;
	[dreg:$0x1] =	wrdreg $0xFFFFFFFF  }
0xa7: {  	s28 =	simm.s32 $_size_execute0_lowered;
	s3 =	sadd.s32 s3, s5;
	[dreg:$0x0] =	wrdreg $0x0  }
0xa8: {  	s5 =	sshll.u32 s28, $0x1;
	[dreg:$0x2] =	wrdreg s3  }
0xa9: {  	[dreg:$0x3] =	wrdreg s5  }
0xaa: {  	[dreg:$0x4] =	wrdreg $0xC0  }
0xab: {  	_ =	task [dreg:s7], $0x5FFFF  }
0xac: {  	[dreg:$0x1] =	wrdreg $0xFFFFFFFF  }
0xad: {  	[dreg:$0x0] =	wrdreg $0x60  }
0xae: {  	[dreg:$0x2] =	wrdreg s24  }
0xaf: {  	[dreg:$0x3] =	wrdreg s2  }
0xb0: {  	[dreg:$0x4] =	wrdreg $0x9  }
0xb1: {  	_ =	task.clear_ibuf [dreg:s7], $0x5FFFF;
	_ =	strace $0x90000046  }
0xb2: {  	s29 =	simm.s32 $0x9;
	_ =	strace $0x80000048  }
0xb3: {  	_ =	swait.ge [sflag:s29], $0x1  }
0xb4: {  	[sflag:s29] =	ssyncadd.s32 $0xFFFFFFFF  }
0xb5: {  	_ =	strace $0x90000048  }
0xb6: {  	_ =	sfence  }
0xb7: {  	s30 =	sld [smem:$0x0];
	_ =	sdelay $0x2  }
0xb8: {  	s31 =	sshll.u32 s1, $0xD;
	s1 =	sshrl.u32 s1, $0x2  }
0xb9: {  	s3 =	sand.u32 $0x4000, s31;
	s1 =	sadd.s32 s1, s30  }
0xba: {  	s0 =	sor.u32 s3, s0;
	s1 =	sshll.u32 s1, $0x11  }
0xbb: {  	s0 =	sor.u32 s1, s0  }
0xbc: {  	s0 =	sadd.s32 $0x8F2B, s0  }
0xbd: {  	[sflag:s0] =	ssyncadd.remote.s32 $0x1  }
0xbe: {  	_ =	sfence.sel $0xFFFF  }
0xbf: {  	[dreg:$0x0] =	wrdreg $0xFFFFFFFF;
	(pc) =	sbr.abs _section_cstart, $3  }
0xc0: {  	[dreg:$0x1] =	wrdreg $0xFFFFFFFF  }
0xc1: {  	_ =	task.clear_ibuf [dreg:s7], $0x2FFFF;
	_ =	strace $0x9FFFFFFF  }
0xc2: {  	(tm) =	ssettm $0x7FFFFFFF  }
0xc3: {  	_ =	shalt  }
tec
execute0_lowered:
.L_overlay_start_1:
0x0: {  	(tag) =	ssettag $0x1  }
0x1: {  	vm0 =	vmmov $0x1;
	vm2 =	vcmask $0x70C  }
0x2: {  	vm3 =	vcmask $0xB10;
	vm4 =	vcmask $0xF14;
	vm5 =	vcmask $0x1318  }
0x3: {  	vm6 =	vcmask $0x171C;
	v0 =	vimm.s32 $0x76543210;
	vm7 =	vcmask $0x1B20  }
0x4: {  	vm8 =	vcmask $0x1F24;
	vm9 =	vcmask $0x2328;
	vm10 =	vcmask $0x272C  }
0x5: {  	vm11 =	vcmask $0x2B30;
	v1 =	vimm.s32 $0xC07;
	vm1 =	vcmask $0x300  }
0x6: {  	vm12 =	vcmask $0x1F00;
	vm13 =	vcmask $0x704;
	vm14 =	vcmask $0xB08  }
0x7: {  	v2 =	vimm.s32 $0x1407;
	v3 =	vimm.s32 $0x1C07;
	v4 =	vimm.s32 $0x2407  }
0x8: {  	v5 =	vimm.s32 $0x2C07;
	v6 =	vimm.s32 $0x3407;
	v7 =	vimm.s32 $0x3C07  }
0x9: {  	vm15 =	vcmask $0x1310;
	v8 =	vlaneseq.u32;
	v0 =	vunpack.c.l.s4.s8 v0  }
0xa: {  	v1 =	vsel vm1, $0x800, v1;
	v2 =	vsel vm1, $0x1000, v2;
	v3 =	vsel vm1, $0x1800, v3  }
0xb: {  	v4 =	vsel vm1, $0x2000, v4;
	v5 =	vsel vm1, $0x2800, v5;
	v6 =	vsel vm1, $0x3000, v6  }
0xc: {  	v7 =	vsel vm1, $0x3800, v7;
	vm1 =	vcmask $0xF0C;
	v1 =	vsel vm13, $0x801, v1  }
0xd: {  	v2 =	vsel vm13, $0x1001, v2;
	v3 =	vsel vm13, $0x1801, v3;
	v4 =	vsel vm13, $0x2001, v4  }
0xe: {  	v5 =	vsel vm13, $0x2801, v5;
	v6 =	vsel vm13, $0x3001, v6;
	v7 =	vsel vm13, $0x3801, v7  }
0xf: {  	vm13 =	vcmask $0x2724;
	v0 =	vunpack.c.0.s8.s32 v0;
	v1 =	vsel vm14, $0x802, v1  }
0x10: {  	v2 =	vsel vm14, $0x1002, v2;
	v3 =	vsel vm14, $0x1802, v3;
	v4 =	vsel vm14, $0x2002, v4  }
0x11: {  	v5 =	vsel vm14, $0x2802, v5;
	v6 =	vsel vm14, $0x3002, v6;
	v7 =	vsel vm14, $0x3802, v7  }
0x12: {  	vm14 =	vcmask $0x2B28;
	v1 =	vsel vm1, $0x803, v1;
	v2 =	vsel vm1, $0x1003, v2  }
0x13: {  	v3 =	vsel vm1, $0x1803, v3;
	v4 =	vsel vm1, $0x2003, v4;
	v5 =	vsel vm1, $0x2803, v5  }
0x14: {  	v6 =	vsel vm1, $0x3003, v6;
	v7 =	vsel vm1, $0x3803, v7;
	vm1 =	vcmask $0x1714  }
0x15: {  	v0 =	vnsel vm12, $0x407, v0;
	vm12 =	vcmask $0x2320;
	v1 =	vsel vm15, $0x804, v1  }
0x16: {  	v2 =	vsel vm15, $0x1004, v2;
	v3 =	vsel vm15, $0x1804, v3;
	v4 =	vsel vm15, $0x2004, v4  }
0x17: {  	v5 =	vsel vm15, $0x2804, v5;
	v6 =	vsel vm15, $0x3004, v6;
	v7 =	vsel vm15, $0x3804, v7  }
0x18: {  	vm15 =	vcmask $0x1B18;
	v0 =	vsel vm12, $0x400, v0;
	v1 =	vsel vm1, $0x805, v1  }
0x19: {  	v2 =	vsel vm1, $0x1005, v2;
	v3 =	vsel vm1, $0x1805, v3;
	v4 =	vsel vm1, $0x2005, v4  }
0x1a: {  	v5 =	vsel vm1, $0x2805, v5;
	v6 =	vsel vm1, $0x3005, v6;
	v7 =	vsel vm1, $0x3805, v7  }
0x1b: {  	vm1 =	vcmask $0x1F1C;
	v0 =	vsel vm13, $0x401, v0;
	v1 =	vsel vm15, $0x806, v1  }
0x1c: {  	v2 =	vsel vm15, $0x1006, v2;
	v3 =	vsel vm15, $0x1806, v3;
	v4 =	vsel vm15, $0x2006, v4  }
0x1d: {  	v5 =	vsel vm15, $0x2806, v5;
	v6 =	vsel vm15, $0x3006, v6;
	v7 =	vsel vm15, $0x3806, v7  }
0x1e: {  	v0 =	vsel vm14, $0x402, v0;
	v1 =	vsel vm1, $0x807, v1;
	v2 =	vsel vm1, $0x1007, v2  }
0x1f: {  	v3 =	vsel vm1, $0x1807, v3;
	v4 =	vsel vm1, $0x2007, v4;
	v5 =	vsel vm1, $0x2807, v5  }
0x20: {  	s3 =	rddreg [dreg:$0x0];
	v6 =	vsel vm1, $0x3007, v6;
	v7 =	vsel vm1, $0x3807, v7;
	vm1 =	vcmask $0x2F2C  }
0x21: {  	s1 =	srdreg.scid;
	s5 =	rddreg [dreg:$0x1];
	vm15 =	vcmask $0x3330;
	v0 =	vsel vm1, $0x403, v0;
	v1 =	vsel vm12, $0xC00, v1  }
0x22: {  	s2 =	simm.s32 $0x0;
	s4 =	sand.u32 $0x1, s1;
	s1 =	rddreg [dreg:$0x2];
	v2 =	vsel vm12, $0x1400, v2;
	v3 =	vsel vm12, $0x1C00, v3;
	v4 =	vsel vm12, $0x2400, v4  }
0x23: {  	s15 =	simm.s32 $0x480;
	[smem:$0x7FF] =	sst s2;
	v5 =	vsel vm12, $0x2C00, v5;
	v6 =	vsel vm12, $0x3400, v6;
	v7 =	vsel vm12, $0x3C00, v7  }
0x24: {  	s16 =	simm.s32 $0x880;
	_ =	strace $0x80000047;
	[dreg:$0x5] =	wrdreg s15;
	vm12 =	vcmask $0x2F34;
	v1 =	vsel vm13, $0xC01, v1;
	v2 =	vsel vm13, $0x1401, v2  }
0x25: {  	s17 =	simm.s32 $0xC80;
	[dreg:$0x6] =	wrdreg s16;
	v3 =	vsel vm13, $0x1C01, v3;
	v4 =	vsel vm13, $0x2401, v4;
	v5 =	vsel vm13, $0x2C01, v5  }
0x26: {  	s18 =	simm.s32 $0x1080;
	[dreg:$0x7] =	wrdreg s17;
	v6 =	vsel vm13, $0x3401, v6;
	v7 =	vsel vm13, $0x3C01, v7;
	v0 =	vsel vm15, $0x404, v0  }
0x27: {  	s19 =	simm.s32 $0x1480;
	[dreg:$0x8] =	wrdreg s18;
	vm13 =	vcmask $0x3338;
	v1 =	vsel vm14, $0xC02, v1;
	v2 =	vsel vm14, $0x1402, v2  }
0x28: {  	s20 =	simm.s32 $0x1880;
	[dreg:$0x9] =	wrdreg s19;
	v3 =	vsel vm14, $0x1C02, v3;
	v4 =	vsel vm14, $0x2402, v4;
	v5 =	vsel vm14, $0x2C02, v5  }
0x29: {  	s21 =	simm.s32 $0x1C80;
	[dreg:$0xa] =	wrdreg s20;
	v6 =	vsel vm14, $0x3402, v6;
	v7 =	vsel vm14, $0x3C02, v7;
	vm14 =	vcmask $0x3734  }
0x2a: {  	s22 =	simm.s32 $0x2080;
	[dreg:$0xb] =	wrdreg s21;
	v1 =	vsel vm1, $0xC03, v1;
	v2 =	vsel vm1, $0x1403, v2;
	v3 =	vsel vm1, $0x1C03, v3  }
0x2b: {  	s23 =	simm.s32 $0x2480;
	[dreg:$0xc] =	wrdreg s22;
	v4 =	vsel vm1, $0x2403, v4;
	v5 =	vsel vm1, $0x2C03, v5;
	v6 =	vsel vm1, $0x3403, v6  }
0x2c: {  	s24 =	simm.s32 $0x2880;
	[dreg:$0xd] =	wrdreg s23;
	v7 =	vsel vm1, $0x3C03, v7;
	v9 =	vsel vm14, $0x405, v0;
	vm1 =	vcmask $0x3B38  }
0x2d: {  	s25 =	simm.s32 $0x2C80;
	[dreg:$0xe] =	wrdreg s24;
	v0 =	vsel vm15, $0xC04, v1;
	v1 =	vsel vm15, $0x1404, v2;
	v2 =	vsel vm15, $0x1C04, v3  }
0x2e: {  	s26 =	simm.s32 $0x3080;
	[dreg:$0xf] =	wrdreg s25;
	v3 =	vsel vm15, $0x2404, v4;
	v4 =	vsel vm15, $0x2C04, v5;
	v5 =	vsel vm15, $0x3404, v6  }
0x2f: {  	s0 =	stileid.u32;
	s29 =	simm.s32 $0x3480;
	[dreg:$0x10] =	wrdreg s26;
	v6 =	vsel vm15, $0x3C04, v7;
	vm15 =	vmmov $0x7fff;
	v7 =	vsel vm14, $0xC05, v0  }
0x30: {  	s30 =	simm.s32 $0x3880;
	s31 =	simm.s32 $0x3C80;
	[dreg:$0x11] =	wrdreg s29;
	v10 =	vsel vm14, $0x1405, v1;
	v11 =	vsel vm14, $0x1C05, v2;
	v12 =	vsel vm14, $0x2405, v3  }
0x31: {  	s8 =	simm.s32 $0x4080;
	s14 =	sshll.u32 s0, $0x1;
	[dreg:$0x12] =	wrdreg s30;
	v13 =	vsel vm14, $0x2C05, v4;
	v14 =	vsel vm14, $0x3405, v5;
	v15 =	vsel vm14, $0x3C05, v6  }
0x32: {  	s6 =	sor.u32 s4, s14;
	s4 =	ssub.s32 $0x2, s4;
	[dreg:$0x13] =	wrdreg s31;
	vm14 =	vcmask $0x373C;
	v0 =	vshrl.u32 v8, $0x3;
	v1 =	vsel vm1, $0x406, v9  }
0x33: {  	[dreg:$0x14] =	wrdreg s8;
	s7 =	sshll.u32 s6, $0x1;
	s6 =	sshll.u32 s6, $0x4;
	v2 =	vsel vm1, $0xC06, v7;
	v3 =	vsel vm1, $0x1406, v10;
	v4 =	vsel vm1, $0x1C06, v11  }
0x34: {  	s28 =	sshrl.u32 s4, $0x1;
	s7 =	sadd.s32 s7, s3;
	s5 =	sadd.s32 s5, s6;
	v5 =	vsel vm1, $0x2406, v12;
	v6 =	vsel vm1, $0x2C06, v13;
	v7 =	vsel vm1, $0x3406, v14  }
0x35: {  	s3 =	sadd.s32 $0x600, s3;
	s4 =	ssub.s32 s4, s28;
	s6 =	simm.s32 $0x80;
	v8 =	vsel vm1, $0x3C06, v15;
	vm1 =	vcmask $0x308;
	v9 =	vor.u32 $0x2, v0  }
0x36: {  	s7 =	sadd.s32 $0x9CA00, s7;
	[dreg:$0x4] =	wrdreg s5;
	s4 =	smax.u32 s4, $0x1;
	v10 =	vor.u32 $0x4, v0;
	v11 =	vor.u32 $0x6, v0;
	v12 =	vor.u32 $0x8, v0  }
0x37: {  	s5 =	simm.s32 $0x2;
	[dreg:$0x3] =	wrdreg s7;
	s7 =	simm.s32 $0x1;
	v13 =	vor.u32 $0xA, v0;
	v14 =	vor.u32 $0xC, v0;
	v15 =	vor.u32 $0xE, v0  }
.LBB2_1:
0x38: {  	s8 =	rddreg [dreg:$0x3]  }
0x39: {  	[tilespmem:s2], [sflag:$0x2] =	stream.linear.gather [hbm4b:s8+s2], $0x10, $0x38;
	[tilespmem:$0x4100] =	vst v63  }
0x3a: {  	_ =	swait.ge [sflag:s5], $0x10  }
0x3b: {  	[sflag:s5] =	ssyncset.done $0x0  }
0x3c: {  	[sflag:s5] =	ssyncadd.s32 $0xFFFFFFF0  }
0x3d: {  	v16 =	vld [tilespmem:$0x0];
	_ =	sdelay $0x4  }
0x3e: {  	v16 =	vand.u32 $0xFFFFFFF8, v16  }
0x3f: {  	v17 =	vnsel vm0, $0x0, v16  }
0x40: {  	(xrf0) =	vadd.scan.msk.s32 $0xffff, v17;
	_ =	sdelay $0x2  }
0x41: {  	v17 =	vsel vm1, $0x0, v16;
	_ =	sdelay $0x1  }
0x42: {  	(xrf0) =	vadd.scan.msk.s32 $0xffff, v17  }
0x43: {  	v17, _, _ =	vpop (xrf0)  }
0x44: {  	(v2sf) =	vpush v17, $0xF  }
0x45: {  	v17 =	vsel vm2, $0x0, v16;
	_ =	sdelay $0x1  }
0x46: {  	(xrf0) =	vadd.scan.msk.s32 $0xffff, v17  }
0x47: {  	v17, _, _ =	vpop (xrf0)  }
0x48: {  	(v2sf) =	vpush v17, $0xF  }
0x49: {  	v17 =	vsel vm3, $0x0, v16;
	_ =	sdelay $0x1  }
0x4a: {  	(xrf0) =	vadd.scan.msk.s32 $0xffff, v17  }
0x4b: {  	v17, _, _ =	vpop (xrf0)  }
0x4c: {  	(v2sf) =	vpush v17, $0xF  }
0x4d: {  	v17 =	vsel vm4, $0x0, v16;
	_ =	sdelay $0x1  }
0x4e: {  	(xrf0) =	vadd.scan.msk.s32 $0xffff, v17  }
0x4f: {  	v17, _, _ =	vpop (xrf0)  }
0x50: {  	s21 =	spop (v2sf);
	(v2sf) =	vpush v17, $0xF  }
0x51: {  	v17 =	vsel vm5, $0x0, v16;
	s8 =	sshll.u32 s21, $0x4  }
0x52: {  	s8 =	sand.u32 $0xFFFFF80, s8  }
0x53: {  	(xrf0) =	vadd.scan.msk.s32 $0xffff, v17;
	s8 =	sadd.s32 s3, s8  }
0x54: {  	v17, _, _ =	vpop (xrf0);
	[tilespmem:s6], [sflag:$0x1] =	stream.linear.gather [hbm4b:s8+s2], $0x400, $0x38;
	[tilespmem:$0x4100] =	vst v63  }
0x55: {  	s22 =	spop (v2sf);
	(v2sf) =	vpush v17, $0xF  }
0x56: {  	v17 =	vsel vm6, $0x0, v16;
	s8 =	sshll.u32 s22, $0x4  }
0x57: {  	s8 =	sand.u32 $0xFFFFF80, s8  }
0x58: {  	s9 =	rddreg [dreg:$0x5];
	(xrf0) =	vadd.scan.msk.s32 $0xffff, v17;
	s8 =	sadd.s32 s3, s8  }
0x59: {  	v17, _, _ =	vpop (xrf0);
	[tilespmem:s9], [sflag:$0x1] =	stream.linear.gather [hbm4b:s8+s2], $0x400, $0x38;
	[tilespmem:$0x4100] =	vst v63  }
0x5a: {  	s23 =	spop (v2sf);
	(v2sf) =	vpush v17, $0xF  }
0x5b: {  	v17 =	vsel vm7, $0x0, v16;
	s8 =	sshll.u32 s23, $0x4  }
0x5c: {  	s8 =	sand.u32 $0xFFFFF80, s8  }
0x5d: {  	s24 =	rddreg [dreg:$0x6];
	(xrf0) =	vadd.scan.msk.s32 $0xffff, v17;
	s8 =	sadd.s32 s3, s8  }
0x5e: {  	v17, _, _ =	vpop (xrf0);
	[tilespmem:s24], [sflag:$0x1] =	stream.linear.gather [hbm4b:s8+s2], $0x400, $0x38;
	[tilespmem:$0x4100] =	vst v63  }
0x5f: {  	s25 =	spop (v2sf);
	(v2sf) =	vpush v17, $0xF  }
0x60: {  	v17 =	vsel vm8, $0x0, v16;
	s8 =	sshll.u32 s25, $0x4  }
0x61: {  	s8 =	sand.u32 $0xFFFFF80, s8  }
0x62: {  	s26 =	rddreg [dreg:$0x7];
	(xrf0) =	vadd.scan.msk.s32 $0xffff, v17;
	s8 =	sadd.s32 s3, s8  }
0x63: {  	v17, _, _ =	vpop (xrf0);
	[tilespmem:s26], [sflag:$0x1] =	stream.linear.gather [hbm4b:s8+s2], $0x400, $0x38;
	[tilespmem:$0x4100] =	vst v63  }
0x64: {  	s28 =	spop (v2sf);
	(v2sf) =	vpush v17, $0xF  }
0x65: {  	v17 =	vsel vm9, $0x0, v16;
	s8 =	sshll.u32 s28, $0x4  }
0x66: {  	s8 =	sand.u32 $0xFFFFF80, s8  }
0x67: {  	s29 =	rddreg [dreg:$0x8];
	(xrf0) =	vadd.scan.msk.s32 $0xffff, v17;
	s8 =	sadd.s32 s3, s8  }
0x68: {  	v17, _, _ =	vpop (xrf0);
	[tilespmem:s29], [sflag:$0x1] =	stream.linear.gather [hbm4b:s8+s2], $0x400, $0x38;
	[tilespmem:$0x4100] =	vst v63  }
0x69: {  	s30 =	spop (v2sf);
	(v2sf) =	vpush v17, $0xF  }
0x6a: {  	v17 =	vsel vm10, $0x0, v16;
	s8 =	sshll.u32 s30, $0x4  }
0x6b: {  	s8 =	sand.u32 $0xFFFFF80, s8  }
0x6c: {  	s31 =	rddreg [dreg:$0x9];
	(xrf0) =	vadd.scan.msk.s32 $0xffff, v17;
	s8 =	sadd.s32 s3, s8  }
0x6d: {  	v17, _, _ =	vpop (xrf0);
	[tilespmem:s31], [sflag:$0x1] =	stream.linear.gather [hbm4b:s8+s2], $0x400, $0x38;
	[tilespmem:$0x4100] =	vst v63  }
0x6e: {  	s9 =	spop (v2sf);
	(v2sf) =	vpush v17, $0xF  }
0x6f: {  	v17 =	vsel vm11, $0x0, v16;
	s8 =	sshll.u32 s9, $0x4  }
0x70: {  	s8 =	sand.u32 $0xFFFFF80, s8  }
0x71: {  	s10 =	rddreg [dreg:$0xa];
	(xrf0) =	vadd.scan.msk.s32 $0xffff, v17;
	s8 =	sadd.s32 s3, s8  }
0x72: {  	v17, _, _ =	vpop (xrf0);
	[tilespmem:s10], [sflag:$0x1] =	stream.linear.gather [hbm4b:s8+s2], $0x400, $0x38;
	[tilespmem:$0x4100] =	vst v63  }
0x73: {  	s11 =	spop (v2sf);
	(v2sf) =	vpush v17, $0xF  }
0x74: {  	v17 =	vsel vm12, $0x0, v16;
	s8 =	sshll.u32 s11, $0x4  }
0x75: {  	s8 =	sand.u32 $0xFFFFF80, s8  }
0x76: {  	s12 =	rddreg [dreg:$0xb];
	(xrf0) =	vadd.scan.msk.s32 $0xffff, v17;
	s8 =	sadd.s32 s3, s8  }
0x77: {  	v17, _, _ =	vpop (xrf0);
	[tilespmem:s12], [sflag:$0x1] =	stream.linear.gather [hbm4b:s8+s2], $0x400, $0x38;
	[tilespmem:$0x4100] =	vst v63  }
0x78: {  	s13 =	spop (v2sf);
	(v2sf) =	vpush v17, $0xF  }
0x79: {  	v17 =	vsel vm13, $0x0, v16;
	s8 =	sshll.u32 s13, $0x4  }
0x7a: {  	s8 =	sand.u32 $0xFFFFF80, s8  }
0x7b: {  	s14 =	rddreg [dreg:$0xc];
	(xrf0) =	vadd.scan.msk.s32 $0xffff, v17;
	s8 =	sadd.s32 s3, s8  }
0x7c: {  	v17, _, _ =	vpop (xrf0);
	[tilespmem:s14], [sflag:$0x1] =	stream.linear.gather [hbm4b:s8+s2], $0x400, $0x38;
	[tilespmem:$0x4100] =	vst v63  }
0x7d: {  	s15 =	spop (v2sf);
	(v2sf) =	vpush v17, $0xF  }
0x7e: {  	v17 =	vsel vm14, $0x0, v16;
	s8 =	sshll.u32 s15, $0x4  }
0x7f: {  	s8 =	sand.u32 $0xFFFFF80, s8  }
0x80: {  	s16 =	rddreg [dreg:$0xd];
	(xrf0) =	vadd.scan.msk.s32 $0xffff, v17;
	s8 =	sadd.s32 s3, s8  }
0x81: {  	v17, _, _ =	vpop (xrf0);
	[tilespmem:s16], [sflag:$0x1] =	stream.linear.gather [hbm4b:s8+s2], $0x400, $0x38;
	[tilespmem:$0x4100] =	vst v63  }
0x82: {  	s17 =	spop (v2sf);
	(v2sf) =	vpush v17, $0xF  }
0x83: {  	v16 =	vsel vm15, $0x0, v16;
	s8 =	sshll.u32 s17, $0x4  }
0x84: {  	s8 =	sand.u32 $0xFFFFF80, s8  }
0x85: {  	s18 =	rddreg [dreg:$0xe];
	(xrf0) =	vadd.scan.msk.s32 $0xffff, v16;
	s8 =	sadd.s32 s3, s8  }
0x86: {  	v16, _, _ =	vpop (xrf0);
	[tilespmem:s18], [sflag:$0x1] =	stream.linear.gather [hbm4b:s8+s2], $0x400, $0x38;
	[tilespmem:$0x4100] =	vst v63  }
0x87: {  	s19 =	spop (v2sf);
	(v2sf) =	vpush v16, $0xF  }
0x88: {  	s8 =	sshll.u32 s19, $0x4  }
0x89: {  	s8 =	sand.u32 $0xFFFFF80, s8  }
0x8a: {  	s20 =	rddreg [dreg:$0xf];
	s8 =	sadd.s32 s3, s8  }
0x8b: {  	v16, _, _ =	vpop (xrf0);
	[tilespmem:s20], [sflag:$0x1] =	stream.linear.gather [hbm4b:s8+s2], $0x400, $0x38;
	[tilespmem:$0x4100] =	vst v63  }
0x8c: {  	s21 =	spop (v2sf);
	(v2sf) =	vpush v16, $0xF  }
0x8d: {  	s8 =	sshll.u32 s21, $0x4  }
0x8e: {  	s8 =	sand.u32 $0xFFFFF80, s8  }
0x8f: {  	s22 =	rddreg [dreg:$0x10];
	s8 =	sadd.s32 s3, s8  }
0x90: {  	[tilespmem:s22], [sflag:$0x1] =	stream.linear.gather [hbm4b:s8+s2], $0x400, $0x38;
	[tilespmem:$0x4100] =	vst v63  }
0x91: {  	s23 =	spop (v2sf)  }
0x92: {  	s8 =	sshll.u32 s23, $0x4  }
0x93: {  	s8 =	sand.u32 $0xFFFFF80, s8  }
0x94: {  	s24 =	rddreg [dreg:$0x11];
	s8 =	sadd.s32 s3, s8  }
0x95: {  	[tilespmem:s24], [sflag:$0x1] =	stream.linear.gather [hbm4b:s8+s2], $0x400, $0x38;
	[tilespmem:$0x4100] =	vst v63  }
0x96: {  	s25 =	spop (v2sf)  }
0x97: {  	s8 =	sshll.u32 s25, $0x4  }
0x98: {  	s8 =	sand.u32 $0xFFFFF80, s8  }
0x99: {  	s26 =	rddreg [dreg:$0x12];
	s8 =	sadd.s32 s3, s8  }
0x9a: {  	[tilespmem:s26], [sflag:$0x1] =	stream.linear.gather [hbm4b:s8+s2], $0x400, $0x38;
	[tilespmem:$0x4100] =	vst v63  }
0x9b: {  	s28 =	spop (v2sf)  }
0x9c: {  	s8 =	sshll.u32 s28, $0x4  }
0x9d: {  	s8 =	sand.u32 $0xFFFFF80, s8  }
0x9e: {  	s29 =	rddreg [dreg:$0x13];
	s8 =	sadd.s32 s3, s8  }
0x9f: {  	[tilespmem:s29], [sflag:$0x1] =	stream.linear.gather [hbm4b:s8+s2], $0x400, $0x38;
	[tilespmem:$0x4100] =	vst v63  }
0xa0: {  	_ =	swait.ge [sflag:s7], $0x400  }
0xa1: {  	[sflag:s7] =	ssyncset.done $0x0  }
0xa2: {  	[sflag:s7] =	ssyncadd.s32 $0xFFFFFC00  }
0xa3: {  	_ =	swait.ge [sflag:s7], $0x400  }
0xa4: {  	[sflag:s7] =	ssyncset.done $0x0  }
0xa5: {  	[sflag:s7] =	ssyncadd.s32 $0xFFFFFC00  }
0xa6: {  	_ =	swait.ge [sflag:s7], $0x400  }
0xa7: {  	[sflag:s7] =	ssyncset.done $0x0  }
0xa8: {  	[sflag:s7] =	ssyncadd.s32 $0xFFFFFC00  }
0xa9: {  	_ =	swait.ge [sflag:s7], $0x400  }
0xaa: {  	[sflag:s7] =	ssyncset.done $0x0  }
0xab: {  	[sflag:s7] =	ssyncadd.s32 $0xFFFFFC00  }
0xac: {  	_ =	swait.ge [sflag:s7], $0x400  }
0xad: {  	[sflag:s7] =	ssyncset.done $0x0  }
0xae: {  	[sflag:s7] =	ssyncadd.s32 $0xFFFFFC00  }
0xaf: {  	_ =	swait.ge [sflag:s7], $0x400  }
0xb0: {  	[sflag:s7] =	ssyncset.done $0x0  }
0xb1: {  	[sflag:s7] =	ssyncadd.s32 $0xFFFFFC00  }
0xb2: {  	_ =	swait.ge [sflag:s7], $0x400  }
0xb3: {  	[sflag:s7] =	ssyncset.done $0x0  }
0xb4: {  	[sflag:s7] =	ssyncadd.s32 $0xFFFFFC00  }
0xb5: {  	_ =	swait.ge [sflag:s7], $0x400  }
0xb6: {  	[sflag:s7] =	ssyncset.done $0x0  }
0xb7: {  	[sflag:s7] =	ssyncadd.s32 $0xFFFFFC00  }
0xb8: {  	_ =	swait.ge [sflag:s7], $0x400  }
0xb9: {  	[sflag:s7] =	ssyncset.done $0x0  }
0xba: {  	[sflag:s7] =	ssyncadd.s32 $0xFFFFFC00  }
0xbb: {  	_ =	swait.ge [sflag:s7], $0x400  }
0xbc: {  	[sflag:s7] =	ssyncset.done $0x0  }
0xbd: {  	[sflag:s7] =	ssyncadd.s32 $0xFFFFFC00  }
0xbe: {  	_ =	swait.ge [sflag:s7], $0x400  }
0xbf: {  	[sflag:s7] =	ssyncset.done $0x0  }
0xc0: {  	[sflag:s7] =	ssyncadd.s32 $0xFFFFFC00  }
0xc1: {  	_ =	swait.ge [sflag:s7], $0x400  }
0xc2: {  	[sflag:s7] =	ssyncset.done $0x0  }
0xc3: {  	[sflag:s7] =	ssyncadd.s32 $0xFFFFFC00  }
0xc4: {  	_ =	swait.ge [sflag:s7], $0x400  }
0xc5: {  	[sflag:s7] =	ssyncset.done $0x0  }
0xc6: {  	[sflag:s7] =	ssyncadd.s32 $0xFFFFFC00  }
0xc7: {  	_ =	swait.ge [sflag:s7], $0x400  }
0xc8: {  	[sflag:s7] =	ssyncset.done $0x0  }
0xc9: {  	[sflag:s7] =	ssyncadd.s32 $0xFFFFFC00  }
0xca: {  	_ =	swait.ge [sflag:s7], $0x400  }
0xcb: {  	[sflag:s7] =	ssyncset.done $0x0  }
0xcc: {  	[sflag:s7] =	ssyncadd.s32 $0xFFFFFC00  }
0xcd: {  	_ =	swait.ge [sflag:s7], $0x400  }
0xce: {  	[sflag:s7] =	ssyncset.done $0x0  }
0xcf: {  	[sflag:s7] =	ssyncadd.s32 $0xFFFFFC00  }
0xd0: {  	v16 =	vld.idx.msk [tilespmem:v0+s2+$0x0], $0xffff;
	_ =	sdelay $0x4  }
0xd1: {  	v16 =	vshll.u32 v16, $0x7  }
0xd2: {  	v16 =	vand.u32 $0x380, v16  }
0xd3: {  	v16 =	vor.u32 v1, v16;
	_ =	sdelay $0x4  }
0xd4: {  	v16 =	vld.idx.msk [tilespmem:v16+s6+$0x0], $0xffff;
	_ =	sdelay $0x4  }
0xd5: {  	[tilespmem:$0x4080] =	vst v16  }
0xd6: {  	v16 =	vld.idx.msk [tilespmem:v9+s2+$0x0], $0xffff;
	_ =	sdelay $0x4  }
0xd7: {  	v16 =	vshll.u32 v16, $0x7  }
0xd8: {  	v16 =	vand.u32 $0x380, v16  }
0xd9: {  	v16 =	vor.u32 v2, v16;
	_ =	sdelay $0x4  }
0xda: {  	v16 =	vld.idx.msk [tilespmem:v16+s6+$0x0], $0xffff;
	_ =	sdelay $0x4  }
0xdb: {  	[tilespmem:$0x4090] =	vst v16  }
0xdc: {  	v16 =	vld.idx.msk [tilespmem:v10+s2+$0x0], $0xffff;
	_ =	sdelay $0x4  }
0xdd: {  	v16 =	vshll.u32 v16, $0x7  }
0xde: {  	v16 =	vand.u32 $0x380, v16  }
0xdf: {  	v16 =	vor.u32 v3, v16;
	_ =	sdelay $0x4  }
0xe0: {  	v16 =	vld.idx.msk [tilespmem:v16+s6+$0x0], $0xffff;
	_ =	sdelay $0x4  }
0xe1: {  	[tilespmem:$0x40A0] =	vst v16  }
0xe2: {  	v16 =	vld.idx.msk [tilespmem:v11+s2+$0x0], $0xffff;
	_ =	sdelay $0x4  }
0xe3: {  	v16 =	vshll.u32 v16, $0x7  }
0xe4: {  	v16 =	vand.u32 $0x380, v16  }
0xe5: {  	v16 =	vor.u32 v4, v16;
	_ =	sdelay $0x4  }
0xe6: {  	v16 =	vld.idx.msk [tilespmem:v16+s6+$0x0], $0xffff;
	_ =	sdelay $0x4  }
0xe7: {  	[tilespmem:$0x40B0] =	vst v16  }
0xe8: {  	v16 =	vld.idx.msk [tilespmem:v12+s2+$0x0], $0xffff;
	_ =	sdelay $0x4  }
0xe9: {  	v16 =	vshll.u32 v16, $0x7  }
0xea: {  	v16 =	vand.u32 $0x380, v16  }
0xeb: {  	v16 =	vor.u32 v5, v16;
	_ =	sdelay $0x4  }
0xec: {  	v16 =	vld.idx.msk [tilespmem:v16+s6+$0x0], $0xffff;
	_ =	sdelay $0x4  }
0xed: {  	[tilespmem:$0x40C0] =	vst v16  }
0xee: {  	v16 =	vld.idx.msk [tilespmem:v13+s2+$0x0], $0xffff;
	_ =	sdelay $0x4  }
0xef: {  	v16 =	vshll.u32 v16, $0x7  }
0xf0: {  	v16 =	vand.u32 $0x380, v16  }
0xf1: {  	v16 =	vor.u32 v6, v16;
	_ =	sdelay $0x4  }
0xf2: {  	v16 =	vld.idx.msk [tilespmem:v16+s6+$0x0], $0xffff;
	_ =	sdelay $0x4  }
0xf3: {  	[tilespmem:$0x40D0] =	vst v16  }
0xf4: {  	v16 =	vld.idx.msk [tilespmem:v14+s2+$0x0], $0xffff;
	_ =	sdelay $0x4  }
0xf5: {  	v16 =	vshll.u32 v16, $0x7  }
0xf6: {  	v16 =	vand.u32 $0x380, v16  }
0xf7: {  	v16 =	vor.u32 v7, v16;
	_ =	sdelay $0x4  }
0xf8: {  	v16 =	vld.idx.msk [tilespmem:v16+s6+$0x0], $0xffff;
	_ =	sdelay $0x4  }
0xf9: {  	[tilespmem:$0x40E0] =	vst v16  }
0xfa: {  	v16 =	vld.idx.msk [tilespmem:v15+s2+$0x0], $0xffff;
	_ =	sdelay $0x4  }
0xfb: {  	v16 =	vshll.u32 v16, $0x7  }
0xfc: {  	v16 =	vand.u32 $0x380, v16  }
0xfd: {  	v16 =	vor.u32 v8, v16;
	_ =	sdelay $0x4  }
0xfe: {  	v16 =	vld.idx.msk [tilespmem:v16+s6+$0x0], $0xffff;
	_ =	sdelay $0x3  }
0xff: {  	p0 =	sne.s32 s4, $0x1;
	s30 =	rddreg [dreg:$0x4]  }
.Ltmp0:
0x100: {  	s31 =	rddreg [dreg:$0x14];
	[tilespmem:$0x40F0] =	vst v16;
	(pc) =	sbr.rel @p0 .LBB2_1-.Ltmp0, $4  }
0x101: {  	[hbm4b:s30+s2] =	stream.linear.scatter [tilespmem:s31], [sflag:$0x2], $0x80, $0x38;
	[tilespmem:$0x4100] =	vst v63  }
0x102: {  	_ =	swait.ge [sflag:s5], $0x80  }
0x103: {  	[sflag:s5] =	ssyncset.done $0x0  }
0x104: {  	s4 =	sadd.s32 $0xFFFFFFFF, s4;
	[sflag:s5] =	ssyncadd.s32 $0xFFFFFF80  }
0x105: {  	_ =	sfence.sel $0x180000  }
0x106: {  	[bflag:$0x0] =	sbarrier.arrive $0xFFFF  }
0x107: {  	p0 =	sne.s32 s0, $0x0;
	_ =	strace $0x90000047  }
0x108: {  	s0 =	sadd.s32 @!p0 $0x100000, s1;
	[bflag:$0x2] =	sbarrier.arrive $0xFFFF  }
0x109: {  	[sflag:s0] =	ssyncadd.tile.s32 @!p0 $0x1;
	_ =	shalt  }
.Lfunc_end2:
_tile_overlayer_lowered:
.L_overlay_start_2:
0x10a: {  	(tag) =	ssettag $0x2  }
0x10b: {  	s0 =	rddreg [dreg:$0x0];
	s2 =	stileid.u32  }
0x10c: {  	s1 =	rddreg [dreg:$0x1];
	p0 =	sne.s32 s2, $0x0  }
0x10d: {  	s3 =	rddreg [dreg:$0x2];
	[bflag:$0x3] =	sbarrier.arrive $0xFFFF;
	s2 =	simm.s32 @!p0 $0x1C02  }
0x10e: {  	[timem:s3], [sflag:s2] =	dma.local @!p0 [hbm:s0], s1  }
0x10f: {  	s0 =	simm.s32 @!p0 $0x2  }
0x110: {  	_ =	swait.ge @!p0 [sflag:s0], s1  }
0x111: {  	s1 =	ssub.s32 @!p0 $0x0, s1;
	[sflag:s0] =	ssyncset.done @!p0 $0x0  }
0x112: {  	[sflag:s0] =	ssyncadd.s32 @!p0 s1  }
0x113: {  	[bflag:$0x3] =	sbarrier.arrive $0xFFFF  }
0x114: {  	_ =	shalt  }

</sc_bundles>
